<compile_context>
chip_gen: v7x
topology: tpu7x:2x2x1
jax: 0.10.2.dev20260603
libtpu: 0.0.44.dev20260713+nightly
codegen_flags: <defaults>
</compile_context>

<pallas_src>
import jax
import jax.numpy as jnp
from jax import lax
from jax.experimental import pallas as pl
from jax.experimental.pallas import tpu as pltpu
from jax.experimental.pallas import tpu_sc as plsc

K = 65536
DIM = 128
NB = 16384
PTR = 60000
SZ = 0

LEN_A = K - PTR
LEN_B = NB - LEN_A
MID_LO = LEN_B
MID_LEN = PTR - LEN_B

NC, NS = 2, 16
NW = NC * NS

ZB_LO = 0
ZB_LEN = LEN_B * DIM
ZM_LO = MID_LO * DIM
ZM_LEN = MID_LEN * DIM
ZA_LO = PTR * DIM
ZA_LEN = LEN_A * DIM

ZB_W = ZB_LEN // NW
ZM_W = ZM_LEN // NW
ZA_W = ZA_LEN // NW
ZM_CHUNKS = 4
ZM_CHUNK = ZM_W // ZM_CHUNKS

SM_W = MID_LEN // NW
B_1D_WORKERS = 12
SB_W = LEN_B // B_1D_WORKERS
A_1D_WORKERS = 4
SA_W = LEN_A // A_1D_WORKERS

VBUF = ZM_CHUNK


def _enqueue_body(z_new, t_new, e_new, bf_new, z_buf, t_buf, e_buf, bf_buf,
                  z_out, t_out, e_out, bf_out,
                  v0, v1, gsem, ssem0, ssem1):
    c = lax.axis_index("c")
    s = lax.axis_index("s")
    w = s * NC + c
    bufs = (v0, v1)
    ssems = (ssem0, ssem1)
    news = (t_new, e_new, bf_new)
    olds = (t_buf, e_buf, bf_buf)
    outs = (t_out, e_out, bf_out)

    chunks = [(ZB_LO + w * ZB_W, z_new, LEN_A * DIM + w * ZB_W, ZB_W)]
    for i in range(ZM_CHUNKS):
        o = ZM_LO + w * ZM_W + i * ZM_CHUNK
        chunks.append((o, z_buf, o, ZM_CHUNK))
    chunks.append((ZA_LO + w * ZA_W, z_new, w * ZA_W, ZA_W))
    for bi in range(3):
        o = MID_LO + w * SM_W
        chunks.append(("1d", bi, olds[bi], o, outs[bi], o, SM_W))

    scatters = [None] * len(chunks)
    for i, ch in enumerate(chunks):
        b = i % 2
        if i >= 2:
            scatters[i - 2].wait()
        if ch[0] == "1d":
            _, bi, src, src_off, dst, dst_off, ln = ch
        else:
            dst_off, src, src_off, ln = ch
            dst = z_out
        pltpu.async_copy(src.at[pl.ds(src_off, ln)],
                         bufs[b].at[pl.ds(0, ln)], gsem).wait()
        scatters[i] = pltpu.async_copy(bufs[b].at[pl.ds(0, ln)],
                                       dst.at[pl.ds(dst_off, ln)], ssems[b])
    for cp in scatters[-2:]:
        cp.wait()

    @pl.when(w < B_1D_WORKERS)
    def _():
        for bi in range(3):
            so = LEN_A + w * SB_W
            pltpu.sync_copy(news[bi].at[pl.ds(so, SB_W)],
                            v0.at[pl.ds(0, SB_W)])
            pltpu.sync_copy(v0.at[pl.ds(0, SB_W)],
                            outs[bi].at[pl.ds(w * SB_W, SB_W)])

    @pl.when(jnp.logical_and(w >= B_1D_WORKERS,
                             w < B_1D_WORKERS + A_1D_WORKERS))
    def _():
        k = w - B_1D_WORKERS
        for bi in range(3):
            pltpu.sync_copy(news[bi].at[pl.ds(k * SA_W, SA_W)],
                            v0.at[pl.ds(0, SA_W)])
            pltpu.sync_copy(v0.at[pl.ds(0, SA_W)],
                            outs[bi].at[pl.ds(PTR + k * SA_W, SA_W)])


def kernel(z_new, t_new, e_new, b_new, z_buf, t_buf, e_buf, b_buf):
    f32 = jnp.float32
    zf_new = z_new.reshape(-1)
    zf_buf = z_buf.reshape(-1)
    bf_new = jax.lax.bitcast_convert_type(b_new, f32)
    bf_buf = jax.lax.bitcast_convert_type(b_buf, f32)

    mesh = plsc.VectorSubcoreMesh(core_axis_name="c", subcore_axis_name="s",
                                  num_cores=NC, num_subcores=NS)
    out_type = (
        jax.ShapeDtypeStruct((K * DIM,), f32),
        jax.ShapeDtypeStruct((K,), f32),
        jax.ShapeDtypeStruct((K,), f32),
        jax.ShapeDtypeStruct((K,), f32),
    )
    scratch = (
        pltpu.VMEM((VBUF,), f32),
        pltpu.VMEM((VBUF,), f32),
        pltpu.SemaphoreType.DMA,
        pltpu.SemaphoreType.DMA,
        pltpu.SemaphoreType.DMA,
    )
    zf, t, e, bf = pl.kernel(_enqueue_body, out_type=out_type, mesh=mesh,
                             scratch_types=scratch)(
        zf_new, t_new, e_new, bf_new, zf_buf, t_buf, e_buf, bf_buf)
    z = zf.reshape(K, DIM)
    b = jax.lax.bitcast_convert_type(bf, jnp.int32)
    new_ptr = jnp.asarray((PTR + NB) % K, dtype=jnp.int32)
    new_size = jnp.asarray(min(SZ + NB, K), dtype=jnp.int32)
    return (z, t, e, b, new_ptr, new_size)

# --- scband reference (transcript-rebuilt; emitter-appended) ---
"""Pipeline reference for scband-survival-queue-5282809774104 (READ-ONLY COPY).

The authoritative reference and input builder live on the scoring server;
editing this copy changes nothing except your own understanding.
"""

import jax, jax.numpy as jnp
import numpy as np

K = 65536
DIM = 128
B = 16384
PTR = 60000  # forces wrap-around: PTR + B > K
SIZE = 0


def setup_inputs(seed: int = 0) -> dict:
    key = jax.random.key(seed)
    ks = jax.random.split(key, 4)
    return {
        "z_new": jax.random.normal(ks[0], (B, DIM), dtype=jnp.float32),
        "t_new": jax.random.uniform(ks[1], (B,), dtype=jnp.float32),
        "e_new": jax.random.uniform(ks[2], (B,), dtype=jnp.float32),
        "b_new": jax.random.randint(ks[3], (B,), 0, 1000, dtype=jnp.int32),
        # queue state buffers (registered buffers in the torch module)
        "z_buf": jnp.zeros((K, DIM), dtype=jnp.float32),
        "t_buf": jnp.zeros((K,), dtype=jnp.float32),
        "e_buf": jnp.zeros((K,), dtype=jnp.float32),
        "b_buf": jnp.zeros((K,), dtype=jnp.int32),
    }


def reference(z_new, t_new, e_new, b_new, z_buf, t_buf, e_buf, b_buf):
    # FIFO enqueue with wrap-around, expressed as a modular scatter-overwrite.
    # Equivalent to the torch `place` helper: buf[p:end]=src with wrap.
    Bn = z_new.shape[0]
    idx = (PTR + jnp.arange(Bn, dtype=jnp.int32)) % K
    z = z_buf.at[idx].set(z_new)
    t = t_buf.at[idx].set(t_new)
    e = e_buf.at[idx].set(e_new)
    b = b_buf.at[idx].set(b_new)
    new_ptr = jnp.asarray((PTR + Bn) % K, dtype=jnp.int32)
    new_size = jnp.asarray(min(SIZE + Bn, K), dtype=jnp.int32)
    return (z, t, e, b, new_ptr, new_size)

if __name__ == "__main__":
    import jax
    _d = setup_inputs()
    print(jax.jit(kernel)(*tuple(_d.values())))

</pallas_src>

<mosaic_0001>
#map = affine_map<(d0, d1) -> (0)>
module attributes {stable_mosaic.version = 14 : i64} {
  func.func @_enqueue_body(%arg0: i32, %arg1: i32, %arg2: memref<2097152xf32, #tpu.memory_space<hbm>>, %arg3: memref<16384xf32, #tpu.memory_space<hbm>>, %arg4: memref<16384xf32, #tpu.memory_space<hbm>>, %arg5: memref<16384xf32, #tpu.memory_space<hbm>>, %arg6: memref<8388608xf32, #tpu.memory_space<hbm>>, %arg7: memref<65536xf32, #tpu.memory_space<hbm>>, %arg8: memref<65536xf32, #tpu.memory_space<hbm>>, %arg9: memref<65536xf32, #tpu.memory_space<hbm>>, %arg10: memref<8388608xf32, #tpu.memory_space<hbm>>, %arg11: memref<65536xf32, #tpu.memory_space<hbm>>, %arg12: memref<65536xf32, #tpu.memory_space<hbm>>, %arg13: memref<65536xf32, #tpu.memory_space<hbm>>, %arg14: memref<49152xf32, #tpu.memory_space<vmem>>, %arg15: memref<49152xf32, #tpu.memory_space<vmem>>, %arg16: memref<!tpu.dma_semaphore, #tpu.memory_space<semaphore_mem>>, %arg17: memref<!tpu.dma_semaphore, #tpu.memory_space<semaphore_mem>>, %arg18: memref<!tpu.dma_semaphore, #tpu.memory_space<semaphore_mem>>) attributes {dimension_semantics = [#tpu.dimension_semantics<core_parallel>, #tpu.dimension_semantics<subcore_parallel>], iteration_bounds = array<i64: 2, 16>, scalar_prefetch = 0 : i64, scratch_operands = 5 : i64, tpu.core_type = #tpu.core_type<sc_vector_subcore>, window_params = [{transform_indices = #map}, {transform_indices = #map}, {transform_indices = #map}, {transform_indices = #map}, {transform_indices = #map}, {transform_indices = #map}, {transform_indices = #map}, {transform_indices = #map}, {transform_indices = #map}, {transform_indices = #map}, {transform_indices = #map}, {transform_indices = #map}]} {
    %mul3A = arith.constant 2 : i32
    %mul3A_0 = arith.muli %arg1, %mul3A : i32
    %add3A = arith.addi %mul3A_0, %arg0 : i32
    %mul3A_1 = arith.constant 43392 : i32
    %mul3A_2 = arith.muli %add3A, %mul3A_1 : i32
    %add3A_3 = arith.constant 0 : i32
    %add3A_4 = arith.addi %add3A_3, %mul3A_2 : i32
    %mul3A_5 = arith.constant 43392 : i32
    %mul3A_6 = arith.muli %add3A, %mul3A_5 : i32
    %add3A_7 = arith.constant 708608 : i32
    %add3A_8 = arith.addi %add3A_7, %mul3A_6 : i32
    %mul3A_9 = arith.constant 196608 : i32
    %mul3A_10 = arith.muli %add3A, %mul3A_9 : i32
    %add3A_11 = arith.constant 1388544 : i32
    %add3A_12 = arith.addi %add3A_11, %mul3A_10 : i32
    %add3A_13 = arith.constant 0 : i32
    %add3A_14 = arith.addi %add3A_12, %add3A_13 : i32
    %mul3A_15 = arith.constant 196608 : i32
    %mul3A_16 = arith.muli %add3A, %mul3A_15 : i32
    %add3A_17 = arith.constant 1388544 : i32
    %add3A_18 = arith.addi %add3A_17, %mul3A_16 : i32
    %add3A_19 = arith.constant 49152 : i32
    %add3A_20 = arith.addi %add3A_18, %add3A_19 : i32
    %mul3A_21 = arith.constant 196608 : i32
    %mul3A_22 = arith.muli %add3A, %mul3A_21 : i32
    %add3A_23 = arith.constant 1388544 : i32
    %add3A_24 = arith.addi %add3A_23, %mul3A_22 : i32
    %add3A_25 = arith.constant 98304 : i32
    %add3A_26 = arith.addi %add3A_24, %add3A_25 : i32
    %mul3A_27 = arith.constant 196608 : i32
    %mul3A_28 = arith.muli %add3A, %mul3A_27 : i32
    %add3A_29 = arith.constant 1388544 : i32
    %add3A_30 = arith.addi %add3A_29, %mul3A_28 : i32
    %add3A_31 = arith.constant 147456 : i32
    %add3A_32 = arith.addi %add3A_30, %add3A_31 : i32
    %mul3A_33 = arith.constant 22144 : i32
    %mul3A_34 = arith.muli %add3A, %mul3A_33 : i32
    %add3A_35 = arith.constant 7680000 : i32
    %add3A_36 = arith.addi %add3A_35, %mul3A_34 : i32
    %mul3A_37 = arith.constant 22144 : i32
    %mul3A_38 = arith.muli %add3A, %mul3A_37 : i32
    %mul3A_39 = arith.constant 1536 : i32
    %mul3A_40 = arith.muli %add3A, %mul3A_39 : i32
    %add3A_41 = arith.constant 10848 : i32
    %add3A_42 = arith.addi %add3A_41, %mul3A_40 : i32
    %mul3A_43 = arith.constant 1536 : i32
    %mul3A_44 = arith.muli %add3A, %mul3A_43 : i32
    %add3A_45 = arith.constant 10848 : i32
    %add3A_46 = arith.addi %add3A_45, %mul3A_44 : i32
    %mul3A_47 = arith.constant 1536 : i32
    %mul3A_48 = arith.muli %add3A, %mul3A_47 : i32
    %add3A_49 = arith.constant 10848 : i32
    %add3A_50 = arith.addi %add3A_49, %mul3A_48 : i32
    %dma_start3A = arith.constant 0 : i32
    %dma_start3A_51 = tpu.memref_slice %arg14[%dma_start3A] : memref<49152xf32, #tpu.memory_space<vmem>> -> memref<43392xf32, #tpu.memory_space<vmem>>
    %dma_start3A_52 = tpu.memref_slice %arg2[%add3A_8] : memref<2097152xf32, #tpu.memory_space<hbm>> -> memref<43392xf32, #tpu.memory_space<hbm>>
    %dma_start3A_53 = arith.constant 0 : i32
    %dma_start3A_54 = tpu.memref_slice %arg14[%dma_start3A_53] : memref<49152xf32, #tpu.memory_space<vmem>> -> memref<43392xf32, #tpu.memory_space<vmem>>
    %dma_start3A_55 = tpu.memref_slice %arg2[%add3A_8] : memref<2097152xf32, #tpu.memory_space<hbm>> -> memref<43392xf32, #tpu.memory_space<hbm>>
    tpu.enqueue_dma source(%dma_start3A_55 : memref<43392xf32, #tpu.memory_space<hbm>>) target(%dma_start3A_54 : memref<43392xf32, #tpu.memory_space<vmem>>) target_semaphore(%arg16 : memref<!tpu.dma_semaphore, #tpu.memory_space<semaphore_mem>>)
    %dma_wait3A = arith.constant 0 : i32
    %dma_wait3A_56 = tpu.memref_slice %arg14[%dma_wait3A] : memref<49152xf32, #tpu.memory_space<vmem>> -> memref<43392xf32, #tpu.memory_space<vmem>>
    %dma_wait3A_57 = tpu.memref_slice %arg2[%add3A_8] : memref<2097152xf32, #tpu.memory_space<hbm>> -> memref<43392xf32, #tpu.memory_space<hbm>>
    %dma_wait3A_58 = arith.constant 0 : i32
    %dma_wait3A_59 = tpu.memref_slice %arg14[%dma_wait3A_58] : memref<49152xf32, #tpu.memory_space<vmem>> -> memref<43392xf32, #tpu.memory_space<vmem>>
    %dma_wait3A_60 = tpu.memref_slice %arg2[%add3A_8] : memref<2097152xf32, #tpu.memory_space<hbm>> -> memref<43392xf32, #tpu.memory_space<hbm>>
    tpu.wait_dma2 semaphore(%arg16 : memref<!tpu.dma_semaphore, #tpu.memory_space<semaphore_mem>>) src(%dma_wait3A_60 : memref<43392xf32, #tpu.memory_space<hbm>>) dst(%dma_wait3A_59 : memref<43392xf32, #tpu.memory_space<vmem>>)
    %dma_start3A_61 = arith.constant 0 : i32
    %dma_start3A_62 = tpu.memref_slice %arg14[%dma_start3A_61] : memref<49152xf32, #tpu.memory_space<vmem>> -> memref<43392xf32, #tpu.memory_space<vmem>>
    %dma_start3A_63 = tpu.memref_slice %arg10[%add3A_4] : memref<8388608xf32, #tpu.memory_space<hbm>> -> memref<43392xf32, #tpu.memory_space<hbm>>
    %dma_start3A_64 = tpu.memref_slice %arg10[%add3A_4] : memref<8388608xf32, #tpu.memory_space<hbm>> -> memref<43392xf32, #tpu.memory_space<hbm>>
    %dma_start3A_65 = arith.constant 0 : i32
    %dma_start3A_66 = tpu.memref_slice %arg14[%dma_start3A_65] : memref<49152xf32, #tpu.memory_space<vmem>> -> memref<43392xf32, #tpu.memory_space<vmem>>
    tpu.enqueue_dma source(%dma_start3A_66 : memref<43392xf32, #tpu.memory_space<vmem>>) target(%dma_start3A_64 : memref<43392xf32, #tpu.memory_space<hbm>>) target_semaphore(%arg17 : memref<!tpu.dma_semaphore, #tpu.memory_space<semaphore_mem>>)
    %dma_start3A_67 = arith.constant 0 : i32
    %dma_start3A_68 = tpu.memref_slice %arg15[%dma_start3A_67] : memref<49152xf32, #tpu.memory_space<vmem>> -> memref<49152xf32, #tpu.memory_space<vmem>>
    %dma_start3A_69 = tpu.memref_slice %arg6[%add3A_14] : memref<8388608xf32, #tpu.memory_space<hbm>> -> memref<49152xf32, #tpu.memory_space<hbm>>
    %dma_start3A_70 = arith.constant 0 : i32
    %dma_start3A_71 = tpu.memref_slice %arg15[%dma_start3A_70] : memref<49152xf32, #tpu.memory_space<vmem>> -> memref<49152xf32, #tpu.memory_space<vmem>>
    %dma_start3A_72 = tpu.memref_slice %arg6[%add3A_14] : memref<8388608xf32, #tpu.memory_space<hbm>> -> memref<49152xf32, #tpu.memory_space<hbm>>
    tpu.enqueue_dma source(%dma_start3A_72 : memref<49152xf32, #tpu.memory_space<hbm>>) target(%dma_start3A_71 : memref<49152xf32, #tpu.memory_space<vmem>>) target_semaphore(%arg16 : memref<!tpu.dma_semaphore, #tpu.memory_space<semaphore_mem>>)
    %dma_wait3A_73 = arith.constant 0 : i32
    %dma_wait3A_74 = tpu.memref_slice %arg15[%dma_wait3A_73] : memref<49152xf32, #tpu.memory_space<vmem>> -> memref<49152xf32, #tpu.memory_space<vmem>>
    %dma_wait3A_75 = tpu.memref_slice %arg6[%add3A_14] : memref<8388608xf32, #tpu.memory_space<hbm>> -> memref<49152xf32, #tpu.memory_space<hbm>>
    %dma_wait3A_76 = arith.constant 0 : i32
    %dma_wait3A_77 = tpu.memref_slice %arg15[%dma_wait3A_76] : memref<49152xf32, #tpu.memory_space<vmem>> -> memref<49152xf32, #tpu.memory_space<vmem>>
    %dma_wait3A_78 = tpu.memref_slice %arg6[%add3A_14] : memref<8388608xf32, #tpu.memory_space<hbm>> -> memref<49152xf32, #tpu.memory_space<hbm>>
    tpu.wait_dma2 semaphore(%arg16 : memref<!tpu.dma_semaphore, #tpu.memory_space<semaphore_mem>>) src(%dma_wait3A_78 : memref<49152xf32, #tpu.memory_space<hbm>>) dst(%dma_wait3A_77 : memref<49152xf32, #tpu.memory_space<vmem>>)
    %dma_start3A_79 = arith.constant 0 : i32
    %dma_start3A_80 = tpu.memref_slice %arg15[%dma_start3A_79] : memref<49152xf32, #tpu.memory_space<vmem>> -> memref<49152xf32, #tpu.memory_space<vmem>>
    %dma_start3A_81 = tpu.memref_slice %arg10[%add3A_14] : memref<8388608xf32, #tpu.memory_space<hbm>> -> memref<49152xf32, #tpu.memory_space<hbm>>
    %dma_start3A_82 = tpu.memref_slice %arg10[%add3A_14] : memref<8388608xf32, #tpu.memory_space<hbm>> -> memref<49152xf32, #tpu.memory_space<hbm>>
    %dma_start3A_83 = arith.constant 0 : i32
    %dma_start3A_84 = tpu.memref_slice %arg15[%dma_start3A_83] : memref<49152xf32, #tpu.memory_space<vmem>> -> memref<49152xf32, #tpu.memory_space<vmem>>
    tpu.enqueue_dma source(%dma_start3A_84 : memref<49152xf32, #tpu.memory_space<vmem>>) target(%dma_start3A_82 : memref<49152xf32, #tpu.memory_space<hbm>>) target_semaphore(%arg18 : memref<!tpu.dma_semaphore, #tpu.memory_space<semaphore_mem>>)
    %dma_wait3A_85 = arith.constant 0 : i32
    %dma_wait3A_86 = tpu.memref_slice %arg14[%dma_wait3A_85] : memref<49152xf32, #tpu.memory_space<vmem>> -> memref<43392xf32, #tpu.memory_space<vmem>>
    %dma_wait3A_87 = tpu.memref_slice %arg10[%add3A_4] : memref<8388608xf32, #tpu.memory_space<hbm>> -> memref<43392xf32, #tpu.memory_space<hbm>>
    %dma_wait3A_88 = tpu.memref_slice %arg10[%add3A_4] : memref<8388608xf32, #tpu.memory_space<hbm>> -> memref<43392xf32, #tpu.memory_space<hbm>>
    %dma_wait3A_89 = arith.constant 0 : i32
    %dma_wait3A_90 = tpu.memref_slice %arg14[%dma_wait3A_89] : memref<49152xf32, #tpu.memory_space<vmem>> -> memref<43392xf32, #tpu.memory_space<vmem>>
    tpu.wait_dma2 semaphore(%arg17 : memref<!tpu.dma_semaphore, #tpu.memory_space<semaphore_mem>>) src(%dma_wait3A_90 : memref<43392xf32, #tpu.memory_space<vmem>>) dst(%dma_wait3A_88 : memref<43392xf32, #tpu.memory_space<hbm>>)
    %dma_start3A_91 = arith.constant 0 : i32
    %dma_start3A_92 = tpu.memref_slice %arg14[%dma_start3A_91] : memref<49152xf32, #tpu.memory_space<vmem>> -> memref<49152xf32, #tpu.memory_space<vmem>>
    %dma_start3A_93 = tpu.memref_slice %arg6[%add3A_20] : memref<8388608xf32, #tpu.memory_space<hbm>> -> memref<49152xf32, #tpu.memory_space<hbm>>
    %dma_start3A_94 = arith.constant 0 : i32
    %dma_start3A_95 = tpu.memref_slice %arg14[%dma_start3A_94] : memref<49152xf32, #tpu.memory_space<vmem>> -> memref<49152xf32, #tpu.memory_space<vmem>>
    %dma_start3A_96 = tpu.memref_slice %arg6[%add3A_20] : memref<8388608xf32, #tpu.memory_space<hbm>> -> memref<49152xf32, #tpu.memory_space<hbm>>
    tpu.enqueue_dma source(%dma_start3A_96 : memref<49152xf32, #tpu.memory_space<hbm>>) target(%dma_start3A_95 : memref<49152xf32, #tpu.memory_space<vmem>>) target_semaphore(%arg16 : memref<!tpu.dma_semaphore, #tpu.memory_space<semaphore_mem>>)
    %dma_wait3A_97 = arith.constant 0 : i32
    %dma_wait3A_98 = tpu.memref_slice %arg14[%dma_wait3A_97] : memref<49152xf32, #tpu.memory_space<vmem>> -> memref<49152xf32, #tpu.memory_space<vmem>>
    %dma_wait3A_99 = tpu.memref_slice %arg6[%add3A_20] : memref<8388608xf32, #tpu.memory_space<hbm>> -> memref<49152xf32, #tpu.memory_space<hbm>>
    %dma_wait3A_100 = arith.constant 0 : i32
    %dma_wait3A_101 = tpu.memref_slice %arg14[%dma_wait3A_100] : memref<49152xf32, #tpu.memory_space<vmem>> -> memref<49152xf32, #tpu.memory_space<vmem>>
    %dma_wait3A_102 = tpu.memref_slice %arg6[%add3A_20] : memref<8388608xf32, #tpu.memory_space<hbm>> -> memref<49152xf32, #tpu.memory_space<hbm>>
    tpu.wait_dma2 semaphore(%arg16 : memref<!tpu.dma_semaphore, #tpu.memory_space<semaphore_mem>>) src(%dma_wait3A_102 : memref<49152xf32, #tpu.memory_space<hbm>>) dst(%dma_wait3A_101 : memref<49152xf32, #tpu.memory_space<vmem>>)
    %dma_start3A_103 = arith.constant 0 : i32
    %dma_start3A_104 = tpu.memref_slice %arg14[%dma_start3A_103] : memref<49152xf32, #tpu.memory_space<vmem>> -> memref<49152xf32, #tpu.memory_space<vmem>>
    %dma_start3A_105 = tpu.memref_slice %arg10[%add3A_20] : memref<8388608xf32, #tpu.memory_space<hbm>> -> memref<49152xf32, #tpu.memory_space<hbm>>
    %dma_start3A_106 = tpu.memref_slice %arg10[%add3A_20] : memref<8388608xf32, #tpu.memory_space<hbm>> -> memref<49152xf32, #tpu.memory_space<hbm>>
    %dma_start3A_107 = arith.constant 0 : i32
    %dma_start3A_108 = tpu.memref_slice %arg14[%dma_start3A_107] : memref<49152xf32, #tpu.memory_space<vmem>> -> memref<49152xf32, #tpu.memory_space<vmem>>
    tpu.enqueue_dma source(%dma_start3A_108 : memref<49152xf32, #tpu.memory_space<vmem>>) target(%dma_start3A_106 : memref<49152xf32, #tpu.memory_space<hbm>>) target_semaphore(%arg17 : memref<!tpu.dma_semaphore, #tpu.memory_space<semaphore_mem>>)
    %dma_wait3A_109 = arith.constant 0 : i32
    %dma_wait3A_110 = tpu.memref_slice %arg15[%dma_wait3A_109] : memref<49152xf32, #tpu.memory_space<vmem>> -> memref<49152xf32, #tpu.memory_space<vmem>>
    %dma_wait3A_111 = tpu.memref_slice %arg10[%add3A_14] : memref<8388608xf32, #tpu.memory_space<hbm>> -> memref<49152xf32, #tpu.memory_space<hbm>>
    %dma_wait3A_112 = tpu.memref_slice %arg10[%add3A_14] : memref<8388608xf32, #tpu.memory_space<hbm>> -> memref<49152xf32, #tpu.memory_space<hbm>>
    %dma_wait3A_113 = arith.constant 0 : i32
    %dma_wait3A_114 = tpu.memref_slice %arg15[%dma_wait3A_113] : memref<49152xf32, #tpu.memory_space<vmem>> -> memref<49152xf32, #tpu.memory_space<vmem>>
    tpu.wait_dma2 semaphore(%arg18 : memref<!tpu.dma_semaphore, #tpu.memory_space<semaphore_mem>>) src(%dma_wait3A_114 : memref<49152xf32, #tpu.memory_space<vmem>>) dst(%dma_wait3A_112 : memref<49152xf32, #tpu.memory_space<hbm>>)
    %dma_start3A_115 = arith.constant 0 : i32
    %dma_start3A_116 = tpu.memref_slice %arg15[%dma_start3A_115] : memref<49152xf32, #tpu.memory_space<vmem>> -> memref<49152xf32, #tpu.memory_space<vmem>>
    %dma_start3A_117 = tpu.memref_slice %arg6[%add3A_26] : memref<8388608xf32, #tpu.memory_space<hbm>> -> memref<49152xf32, #tpu.memory_space<hbm>>
    %dma_start3A_118 = arith.constant 0 : i32
    %dma_start3A_119 = tpu.memref_slice %arg15[%dma_start3A_118] : memref<49152xf32, #tpu.memory_space<vmem>> -> memref<49152xf32, #tpu.memory_space<vmem>>
    %dma_start3A_120 = tpu.memref_slice %arg6[%add3A_26] : memref<8388608xf32, #tpu.memory_space<hbm>> -> memref<49152xf32, #tpu.memory_space<hbm>>
    tpu.enqueue_dma source(%dma_start3A_120 : memref<49152xf32, #tpu.memory_space<hbm>>) target(%dma_start3A_119 : memref<49152xf32, #tpu.memory_space<vmem>>) target_semaphore(%arg16 : memref<!tpu.dma_semaphore, #tpu.memory_space<semaphore_mem>>)
    %dma_wait3A_121 = arith.constant 0 : i32
    %dma_wait3A_122 = tpu.memref_slice %arg15[%dma_wait3A_121] : memref<49152xf32, #tpu.memory_space<vmem>> -> memref<49152xf32, #tpu.memory_space<vmem>>
    %dma_wait3A_123 = tpu.memref_slice %arg6[%add3A_26] : memref<8388608xf32, #tpu.memory_space<hbm>> -> memref<49152xf32, #tpu.memory_space<hbm>>
    %dma_wait3A_124 = arith.constant 0 : i32
    %dma_wait3A_125 = tpu.memref_slice %arg15[%dma_wait3A_124] : memref<49152xf32, #tpu.memory_space<vmem>> -> memref<49152xf32, #tpu.memory_space<vmem>>
    %dma_wait3A_126 = tpu.memref_slice %arg6[%add3A_26] : memref<8388608xf32, #tpu.memory_space<hbm>> -> memref<49152xf32, #tpu.memory_space<hbm>>
    tpu.wait_dma2 semaphore(%arg16 : memref<!tpu.dma_semaphore, #tpu.memory_space<semaphore_mem>>) src(%dma_wait3A_126 : memref<49152xf32, #tpu.memory_space<hbm>>) dst(%dma_wait3A_125 : memref<49152xf32, #tpu.memory_space<vmem>>)
    %dma_start3A_127 = arith.constant 0 : i32
    %dma_start3A_128 = tpu.memref_slice %arg15[%dma_start3A_127] : memref<49152xf32, #tpu.memory_space<vmem>> -> memref<49152xf32, #tpu.memory_space<vmem>>
    %dma_start3A_129 = tpu.memref_slice %arg10[%add3A_26] : memref<8388608xf32, #tpu.memory_space<hbm>> -> memref<49152xf32, #tpu.memory_space<hbm>>
    %dma_start3A_130 = tpu.memref_slice %arg10[%add3A_26] : memref<8388608xf32, #tpu.memory_space<hbm>> -> memref<49152xf32, #tpu.memory_space<hbm>>
    %dma_start3A_131 = arith.constant 0 : i32
    %dma_start3A_132 = tpu.memref_slice %arg15[%dma_start3A_131] : memref<49152xf32, #tpu.memory_space<vmem>> -> memref<49152xf32, #tpu.memory_space<vmem>>
    tpu.enqueue_dma source(%dma_start3A_132 : memref<49152xf32, #tpu.memory_space<vmem>>) target(%dma_start3A_130 : memref<49152xf32, #tpu.memory_space<hbm>>) target_semaphore(%arg18 : memref<!tpu.dma_semaphore, #tpu.memory_space<semaphore_mem>>)
    %dma_wait3A_133 = arith.constant 0 : i32
    %dma_wait3A_134 = tpu.memref_slice %arg14[%dma_wait3A_133] : memref<49152xf32, #tpu.memory_space<vmem>> -> memref<49152xf32, #tpu.memory_space<vmem>>
    %dma_wait3A_135 = tpu.memref_slice %arg10[%add3A_20] : memref<8388608xf32, #tpu.memory_space<hbm>> -> memref<49152xf32, #tpu.memory_space<hbm>>
    %dma_wait3A_136 = tpu.memref_slice %arg10[%add3A_20] : memref<8388608xf32, #tpu.memory_space<hbm>> -> memref<49152xf32, #tpu.memory_space<hbm>>
    %dma_wait3A_137 = arith.constant 0 : i32
    %dma_wait3A_138 = tpu.memref_slice %arg14[%dma_wait3A_137] : memref<49152xf32, #tpu.memory_space<vmem>> -> memref<49152xf32, #tpu.memory_space<vmem>>
    tpu.wait_dma2 semaphore(%arg17 : memref<!tpu.dma_semaphore, #tpu.memory_space<semaphore_mem>>) src(%dma_wait3A_138 : memref<49152xf32, #tpu.memory_space<vmem>>) dst(%dma_wait3A_136 : memref<49152xf32, #tpu.memory_space<hbm>>)
    %dma_start3A_139 = arith.constant 0 : i32
    %dma_start3A_140 = tpu.memref_slice %arg14[%dma_start3A_139] : memref<49152xf32, #tpu.memory_space<vmem>> -> memref<49152xf32, #tpu.memory_space<vmem>>
    %dma_start3A_141 = tpu.memref_slice %arg6[%add3A_32] : memref<8388608xf32, #tpu.memory_space<hbm>> -> memref<49152xf32, #tpu.memory_space<hbm>>
    %dma_start3A_142 = arith.constant 0 : i32
    %dma_start3A_143 = tpu.memref_slice %arg14[%dma_start3A_142] : memref<49152xf32, #tpu.memory_space<vmem>> -> memref<49152xf32, #tpu.memory_space<vmem>>
    %dma_start3A_144 = tpu.memref_slice %arg6[%add3A_32] : memref<8388608xf32, #tpu.memory_space<hbm>> -> memref<49152xf32, #tpu.memory_space<hbm>>
    tpu.enqueue_dma source(%dma_start3A_144 : memref<49152xf32, #tpu.memory_space<hbm>>) target(%dma_start3A_143 : memref<49152xf32, #tpu.memory_space<vmem>>) target_semaphore(%arg16 : memref<!tpu.dma_semaphore, #tpu.memory_space<semaphore_mem>>)
    %dma_wait3A_145 = arith.constant 0 : i32
    %dma_wait3A_146 = tpu.memref_slice %arg14[%dma_wait3A_145] : memref<49152xf32, #tpu.memory_space<vmem>> -> memref<49152xf32, #tpu.memory_space<vmem>>
    %dma_wait3A_147 = tpu.memref_slice %arg6[%add3A_32] : memref<8388608xf32, #tpu.memory_space<hbm>> -> memref<49152xf32, #tpu.memory_space<hbm>>
    %dma_wait3A_148 = arith.constant 0 : i32
    %dma_wait3A_149 = tpu.memref_slice %arg14[%dma_wait3A_148] : memref<49152xf32, #tpu.memory_space<vmem>> -> memref<49152xf32, #tpu.memory_space<vmem>>
    %dma_wait3A_150 = tpu.memref_slice %arg6[%add3A_32] : memref<8388608xf32, #tpu.memory_space<hbm>> -> memref<49152xf32, #tpu.memory_space<hbm>>
    tpu.wait_dma2 semaphore(%arg16 : memref<!tpu.dma_semaphore, #tpu.memory_space<semaphore_mem>>) src(%dma_wait3A_150 : memref<49152xf32, #tpu.memory_space<hbm>>) dst(%dma_wait3A_149 : memref<49152xf32, #tpu.memory_space<vmem>>)
    %dma_start3A_151 = arith.constant 0 : i32
    %dma_start3A_152 = tpu.memref_slice %arg14[%dma_start3A_151] : memref<49152xf32, #tpu.memory_space<vmem>> -> memref<49152xf32, #tpu.memory_space<vmem>>
    %dma_start3A_153 = tpu.memref_slice %arg10[%add3A_32] : memref<8388608xf32, #tpu.memory_space<hbm>> -> memref<49152xf32, #tpu.memory_space<hbm>>
    %dma_start3A_154 = tpu.memref_slice %arg10[%add3A_32] : memref<8388608xf32, #tpu.memory_space<hbm>> -> memref<49152xf32, #tpu.memory_space<hbm>>
    %dma_start3A_155 = arith.constant 0 : i32
    %dma_start3A_156 = tpu.memref_slice %arg14[%dma_start3A_155] : memref<49152xf32, #tpu.memory_space<vmem>> -> memref<49152xf32, #tpu.memory_space<vmem>>
    tpu.enqueue_dma source(%dma_start3A_156 : memref<49152xf32, #tpu.memory_space<vmem>>) target(%dma_start3A_154 : memref<49152xf32, #tpu.memory_space<hbm>>) target_semaphore(%arg17 : memref<!tpu.dma_semaphore, #tpu.memory_space<semaphore_mem>>)
    %dma_wait3A_157 = arith.constant 0 : i32
    %dma_wait3A_158 = tpu.memref_slice %arg15[%dma_wait3A_157] : memref<49152xf32, #tpu.memory_space<vmem>> -> memref<49152xf32, #tpu.memory_space<vmem>>
    %dma_wait3A_159 = tpu.memref_slice %arg10[%add3A_26] : memref<8388608xf32, #tpu.memory_space<hbm>> -> memref<49152xf32, #tpu.memory_space<hbm>>
    %dma_wait3A_160 = tpu.memref_slice %arg10[%add3A_26] : memref<8388608xf32, #tpu.memory_space<hbm>> -> memref<49152xf32, #tpu.memory_space<hbm>>
    %dma_wait3A_161 = arith.constant 0 : i32
    %dma_wait3A_162 = tpu.memref_slice %arg15[%dma_wait3A_161] : memref<49152xf32, #tpu.memory_space<vmem>> -> memref<49152xf32, #tpu.memory_space<vmem>>
    tpu.wait_dma2 semaphore(%arg18 : memref<!tpu.dma_semaphore, #tpu.memory_space<semaphore_mem>>) src(%dma_wait3A_162 : memref<49152xf32, #tpu.memory_space<vmem>>) dst(%dma_wait3A_160 : memref<49152xf32, #tpu.memory_space<hbm>>)
    %dma_start3A_163 = arith.constant 0 : i32
    %dma_start3A_164 = tpu.memref_slice %arg15[%dma_start3A_163] : memref<49152xf32, #tpu.memory_space<vmem>> -> memref<22144xf32, #tpu.memory_space<vmem>>
    %dma_start3A_165 = tpu.memref_slice %arg2[%mul3A_38] : memref<2097152xf32, #tpu.memory_space<hbm>> -> memref<22144xf32, #tpu.memory_space<hbm>>
    %dma_start3A_166 = arith.constant 0 : i32
    %dma_start3A_167 = tpu.memref_slice %arg15[%dma_start3A_166] : memref<49152xf32, #tpu.memory_space<vmem>> -> memref<22144xf32, #tpu.memory_space<vmem>>
    %dma_start3A_168 = tpu.memref_slice %arg2[%mul3A_38] : memref<2097152xf32, #tpu.memory_space<hbm>> -> memref<22144xf32, #tpu.memory_space<hbm>>
    tpu.enqueue_dma source(%dma_start3A_168 : memref<22144xf32, #tpu.memory_space<hbm>>) target(%dma_start3A_167 : memref<22144xf32, #tpu.memory_space<vmem>>) target_semaphore(%arg16 : memref<!tpu.dma_semaphore, #tpu.memory_space<semaphore_mem>>)
    %dma_wait3A_169 = arith.constant 0 : i32
    %dma_wait3A_170 = tpu.memref_slice %arg15[%dma_wait3A_169] : memref<49152xf32, #tpu.memory_space<vmem>> -> memref<22144xf32, #tpu.memory_space<vmem>>
    %dma_wait3A_171 = tpu.memref_slice %arg2[%mul3A_38] : memref<2097152xf32, #tpu.memory_space<hbm>> -> memref<22144xf32, #tpu.memory_space<hbm>>
    %dma_wait3A_172 = arith.constant 0 : i32
    %dma_wait3A_173 = tpu.memref_slice %arg15[%dma_wait3A_172] : memref<49152xf32, #tpu.memory_space<vmem>> -> memref<22144xf32, #tpu.memory_space<vmem>>
    %dma_wait3A_174 = tpu.memref_slice %arg2[%mul3A_38] : memref<2097152xf32, #tpu.memory_space<hbm>> -> memref<22144xf32, #tpu.memory_space<hbm>>
    tpu.wait_dma2 semaphore(%arg16 : memref<!tpu.dma_semaphore, #tpu.memory_space<semaphore_mem>>) src(%dma_wait3A_174 : memref<22144xf32, #tpu.memory_space<hbm>>) dst(%dma_wait3A_173 : memref<22144xf32, #tpu.memory_space<vmem>>)
    %dma_start3A_175 = arith.constant 0 : i32
    %dma_start3A_176 = tpu.memref_slice %arg15[%dma_start3A_175] : memref<49152xf32, #tpu.memory_space<vmem>> -> memref<22144xf32, #tpu.memory_space<vmem>>
    %dma_start3A_177 = tpu.memref_slice %arg10[%add3A_36] : memref<8388608xf32, #tpu.memory_space<hbm>> -> memref<22144xf32, #tpu.memory_space<hbm>>
    %dma_start3A_178 = tpu.memref_slice %arg10[%add3A_36] : memref<8388608xf32, #tpu.memory_space<hbm>> -> memref<22144xf32, #tpu.memory_space<hbm>>
    %dma_start3A_179 = arith.constant 0 : i32
    %dma_start3A_180 = tpu.memref_slice %arg15[%dma_start3A_179] : memref<49152xf32, #tpu.memory_space<vmem>> -> memref<22144xf32, #tpu.memory_space<vmem>>
    tpu.enqueue_dma source(%dma_start3A_180 : memref<22144xf32, #tpu.memory_space<vmem>>) target(%dma_start3A_178 : memref<22144xf32, #tpu.memory_space<hbm>>) target_semaphore(%arg18 : memref<!tpu.dma_semaphore, #tpu.memory_space<semaphore_mem>>)
    %dma_wait3A_181 = arith.constant 0 : i32
    %dma_wait3A_182 = tpu.memref_slice %arg14[%dma_wait3A_181] : memref<49152xf32, #tpu.memory_space<vmem>> -> memref<49152xf32, #tpu.memory_space<vmem>>
    %dma_wait3A_183 = tpu.memref_slice %arg10[%add3A_32] : memref<8388608xf32, #tpu.memory_space<hbm>> -> memref<49152xf32, #tpu.memory_space<hbm>>
    %dma_wait3A_184 = tpu.memref_slice %arg10[%add3A_32] : memref<8388608xf32, #tpu.memory_space<hbm>> -> memref<49152xf32, #tpu.memory_space<hbm>>
    %dma_wait3A_185 = arith.constant 0 : i32
    %dma_wait3A_186 = tpu.memref_slice %arg14[%dma_wait3A_185] : memref<49152xf32, #tpu.memory_space<vmem>> -> memref<49152xf32, #tpu.memory_space<vmem>>
    tpu.wait_dma2 semaphore(%arg17 : memref<!tpu.dma_semaphore, #tpu.memory_space<semaphore_mem>>) src(%dma_wait3A_186 : memref<49152xf32, #tpu.memory_space<vmem>>) dst(%dma_wait3A_184 : memref<49152xf32, #tpu.memory_space<hbm>>)
    %dma_start3A_187 = arith.constant 0 : i32
    %dma_start3A_188 = tpu.memref_slice %arg14[%dma_start3A_187] : memref<49152xf32, #tpu.memory_space<vmem>> -> memref<1536xf32, #tpu.memory_space<vmem>>
    %dma_start3A_189 = tpu.memref_slice %arg7[%add3A_42] : memref<65536xf32, #tpu.memory_space<hbm>> -> memref<1536xf32, #tpu.memory_space<hbm>>
    %dma_start3A_190 = arith.constant 0 : i32
    %dma_start3A_191 = tpu.memref_slice %arg14[%dma_start3A_190] : memref<49152xf32, #tpu.memory_space<vmem>> -> memref<1536xf32, #tpu.memory_space<vmem>>
    %dma_start3A_192 = tpu.memref_slice %arg7[%add3A_42] : memref<65536xf32, #tpu.memory_space<hbm>> -> memref<1536xf32, #tpu.memory_space<hbm>>
    tpu.enqueue_dma source(%dma_start3A_192 : memref<1536xf32, #tpu.memory_space<hbm>>) target(%dma_start3A_191 : memref<1536xf32, #tpu.memory_space<vmem>>) target_semaphore(%arg16 : memref<!tpu.dma_semaphore, #tpu.memory_space<semaphore_mem>>)
    %dma_wait3A_193 = arith.constant 0 : i32
    %dma_wait3A_194 = tpu.memref_slice %arg14[%dma_wait3A_193] : memref<49152xf32, #tpu.memory_space<vmem>> -> memref<1536xf32, #tpu.memory_space<vmem>>
    %dma_wait3A_195 = tpu.memref_slice %arg7[%add3A_42] : memref<65536xf32, #tpu.memory_space<hbm>> -> memref<1536xf32, #tpu.memory_space<hbm>>
    %dma_wait3A_196 = arith.constant 0 : i32
    %dma_wait3A_197 = tpu.memref_slice %arg14[%dma_wait3A_196] : memref<49152xf32, #tpu.memory_space<vmem>> -> memref<1536xf32, #tpu.memory_space<vmem>>
    %dma_wait3A_198 = tpu.memref_slice %arg7[%add3A_42] : memref<65536xf32, #tpu.memory_space<hbm>> -> memref<1536xf32, #tpu.memory_space<hbm>>
    tpu.wait_dma2 semaphore(%arg16 : memref<!tpu.dma_semaphore, #tpu.memory_space<semaphore_mem>>) src(%dma_wait3A_198 : memref<1536xf32, #tpu.memory_space<hbm>>) dst(%dma_wait3A_197 : memref<1536xf32, #tpu.memory_space<vmem>>)
    %dma_start3A_199 = arith.constant 0 : i32
    %dma_start3A_200 = tpu.memref_slice %arg14[%dma_start3A_199] : memref<49152xf32, #tpu.memory_space<vmem>> -> memref<1536xf32, #tpu.memory_space<vmem>>
    %dma_start3A_201 = tpu.memref_slice %arg11[%add3A_42] : memref<65536xf32, #tpu.memory_space<hbm>> -> memref<1536xf32, #tpu.memory_space<hbm>>
    %dma_start3A_202 = tpu.memref_slice %arg11[%add3A_42] : memref<65536xf32, #tpu.memory_space<hbm>> -> memref<1536xf32, #tpu.memory_space<hbm>>
    %dma_start3A_203 = arith.constant 0 : i32
    %dma_start3A_204 = tpu.memref_slice %arg14[%dma_start3A_203] : memref<49152xf32, #tpu.memory_space<vmem>> -> memref<1536xf32, #tpu.memory_space<vmem>>
    tpu.enqueue_dma source(%dma_start3A_204 : memref<1536xf32, #tpu.memory_space<vmem>>) target(%dma_start3A_202 : memref<1536xf32, #tpu.memory_space<hbm>>) target_semaphore(%arg17 : memref<!tpu.dma_semaphore, #tpu.memory_space<semaphore_mem>>)
    %dma_wait3A_205 = arith.constant 0 : i32
    %dma_wait3A_206 = tpu.memref_slice %arg15[%dma_wait3A_205] : memref<49152xf32, #tpu.memory_space<vmem>> -> memref<22144xf32, #tpu.memory_space<vmem>>
    %dma_wait3A_207 = tpu.memref_slice %arg10[%add3A_36] : memref<8388608xf32, #tpu.memory_space<hbm>> -> memref<22144xf32, #tpu.memory_space<hbm>>
    %dma_wait3A_208 = tpu.memref_slice %arg10[%add3A_36] : memref<8388608xf32, #tpu.memory_space<hbm>> -> memref<22144xf32, #tpu.memory_space<hbm>>
    %dma_wait3A_209 = arith.constant 0 : i32
    %dma_wait3A_210 = tpu.memref_slice %arg15[%dma_wait3A_209] : memref<49152xf32, #tpu.memory_space<vmem>> -> memref<22144xf32, #tpu.memory_space<vmem>>
    tpu.wait_dma2 semaphore(%arg18 : memref<!tpu.dma_semaphore, #tpu.memory_space<semaphore_mem>>) src(%dma_wait3A_210 : memref<22144xf32, #tpu.memory_space<vmem>>) dst(%dma_wait3A_208 : memref<22144xf32, #tpu.memory_space<hbm>>)
    %dma_start3A_211 = arith.constant 0 : i32
    %dma_start3A_212 = tpu.memref_slice %arg15[%dma_start3A_211] : memref<49152xf32, #tpu.memory_space<vmem>> -> memref<1536xf32, #tpu.memory_space<vmem>>
    %dma_start3A_213 = tpu.memref_slice %arg8[%add3A_46] : memref<65536xf32, #tpu.memory_space<hbm>> -> memref<1536xf32, #tpu.memory_space<hbm>>
    %dma_start3A_214 = arith.constant 0 : i32
    %dma_start3A_215 = tpu.memref_slice %arg15[%dma_start3A_214] : memref<49152xf32, #tpu.memory_space<vmem>> -> memref<1536xf32, #tpu.memory_space<vmem>>
    %dma_start3A_216 = tpu.memref_slice %arg8[%add3A_46] : memref<65536xf32, #tpu.memory_space<hbm>> -> memref<1536xf32, #tpu.memory_space<hbm>>
    tpu.enqueue_dma source(%dma_start3A_216 : memref<1536xf32, #tpu.memory_space<hbm>>) target(%dma_start3A_215 : memref<1536xf32, #tpu.memory_space<vmem>>) target_semaphore(%arg16 : memref<!tpu.dma_semaphore, #tpu.memory_space<semaphore_mem>>)
    %dma_wait3A_217 = arith.constant 0 : i32
    %dma_wait3A_218 = tpu.memref_slice %arg15[%dma_wait3A_217] : memref<49152xf32, #tpu.memory_space<vmem>> -> memref<1536xf32, #tpu.memory_space<vmem>>
    %dma_wait3A_219 = tpu.memref_slice %arg8[%add3A_46] : memref<65536xf32, #tpu.memory_space<hbm>> -> memref<1536xf32, #tpu.memory_space<hbm>>
    %dma_wait3A_220 = arith.constant 0 : i32
    %dma_wait3A_221 = tpu.memref_slice %arg15[%dma_wait3A_220] : memref<49152xf32, #tpu.memory_space<vmem>> -> memref<1536xf32, #tpu.memory_space<vmem>>
    %dma_wait3A_222 = tpu.memref_slice %arg8[%add3A_46] : memref<65536xf32, #tpu.memory_space<hbm>> -> memref<1536xf32, #tpu.memory_space<hbm>>
    tpu.wait_dma2 semaphore(%arg16 : memref<!tpu.dma_semaphore, #tpu.memory_space<semaphore_mem>>) src(%dma_wait3A_222 : memref<1536xf32, #tpu.memory_space<hbm>>) dst(%dma_wait3A_221 : memref<1536xf32, #tpu.memory_space<vmem>>)
    %dma_start3A_223 = arith.constant 0 : i32
    %dma_start3A_224 = tpu.memref_slice %arg15[%dma_start3A_223] : memref<49152xf32, #tpu.memory_space<vmem>> -> memref<1536xf32, #tpu.memory_space<vmem>>
    %dma_start3A_225 = tpu.memref_slice %arg12[%add3A_46] : memref<65536xf32, #tpu.memory_space<hbm>> -> memref<1536xf32, #tpu.memory_space<hbm>>
    %dma_start3A_226 = tpu.memref_slice %arg12[%add3A_46] : memref<65536xf32, #tpu.memory_space<hbm>> -> memref<1536xf32, #tpu.memory_space<hbm>>
    %dma_start3A_227 = arith.constant 0 : i32
    %dma_start3A_228 = tpu.memref_slice %arg15[%dma_start3A_227] : memref<49152xf32, #tpu.memory_space<vmem>> -> memref<1536xf32, #tpu.memory_space<vmem>>
    tpu.enqueue_dma source(%dma_start3A_228 : memref<1536xf32, #tpu.memory_space<vmem>>) target(%dma_start3A_226 : memref<1536xf32, #tpu.memory_space<hbm>>) target_semaphore(%arg18 : memref<!tpu.dma_semaphore, #tpu.memory_space<semaphore_mem>>)
    %dma_wait3A_229 = arith.constant 0 : i32
    %dma_wait3A_230 = tpu.memref_slice %arg14[%dma_wait3A_229] : memref<49152xf32, #tpu.memory_space<vmem>> -> memref<1536xf32, #tpu.memory_space<vmem>>
    %dma_wait3A_231 = tpu.memref_slice %arg11[%add3A_42] : memref<65536xf32, #tpu.memory_space<hbm>> -> memref<1536xf32, #tpu.memory_space<hbm>>
    %dma_wait3A_232 = tpu.memref_slice %arg11[%add3A_42] : memref<65536xf32, #tpu.memory_space<hbm>> -> memref<1536xf32, #tpu.memory_space<hbm>>
    %dma_wait3A_233 = arith.constant 0 : i32
    %dma_wait3A_234 = tpu.memref_slice %arg14[%dma_wait3A_233] : memref<49152xf32, #tpu.memory_space<vmem>> -> memref<1536xf32, #tpu.memory_space<vmem>>
    tpu.wait_dma2 semaphore(%arg17 : memref<!tpu.dma_semaphore, #tpu.memory_space<semaphore_mem>>) src(%dma_wait3A_234 : memref<1536xf32, #tpu.memory_space<vmem>>) dst(%dma_wait3A_232 : memref<1536xf32, #tpu.memory_space<hbm>>)
    %dma_start3A_235 = arith.constant 0 : i32
    %dma_start3A_236 = tpu.memref_slice %arg14[%dma_start3A_235] : memref<49152xf32, #tpu.memory_space<vmem>> -> memref<1536xf32, #tpu.memory_space<vmem>>
    %dma_start3A_237 = tpu.memref_slice %arg9[%add3A_50] : memref<65536xf32, #tpu.memory_space<hbm>> -> memref<1536xf32, #tpu.memory_space<hbm>>
    %dma_start3A_238 = arith.constant 0 : i32
    %dma_start3A_239 = tpu.memref_slice %arg14[%dma_start3A_238] : memref<49152xf32, #tpu.memory_space<vmem>> -> memref<1536xf32, #tpu.memory_space<vmem>>
    %dma_start3A_240 = tpu.memref_slice %arg9[%add3A_50] : memref<65536xf32, #tpu.memory_space<hbm>> -> memref<1536xf32, #tpu.memory_space<hbm>>
    tpu.enqueue_dma source(%dma_start3A_240 : memref<1536xf32, #tpu.memory_space<hbm>>) target(%dma_start3A_239 : memref<1536xf32, #tpu.memory_space<vmem>>) target_semaphore(%arg16 : memref<!tpu.dma_semaphore, #tpu.memory_space<semaphore_mem>>)
    %dma_wait3A_241 = arith.constant 0 : i32
    %dma_wait3A_242 = tpu.memref_slice %arg14[%dma_wait3A_241] : memref<49152xf32, #tpu.memory_space<vmem>> -> memref<1536xf32, #tpu.memory_space<vmem>>
    %dma_wait3A_243 = tpu.memref_slice %arg9[%add3A_50] : memref<65536xf32, #tpu.memory_space<hbm>> -> memref<1536xf32, #tpu.memory_space<hbm>>
    %dma_wait3A_244 = arith.constant 0 : i32
    %dma_wait3A_245 = tpu.memref_slice %arg14[%dma_wait3A_244] : memref<49152xf32, #tpu.memory_space<vmem>> -> memref<1536xf32, #tpu.memory_space<vmem>>
    %dma_wait3A_246 = tpu.memref_slice %arg9[%add3A_50] : memref<65536xf32, #tpu.memory_space<hbm>> -> memref<1536xf32, #tpu.memory_space<hbm>>
    tpu.wait_dma2 semaphore(%arg16 : memref<!tpu.dma_semaphore, #tpu.memory_space<semaphore_mem>>) src(%dma_wait3A_246 : memref<1536xf32, #tpu.memory_space<hbm>>) dst(%dma_wait3A_245 : memref<1536xf32, #tpu.memory_space<vmem>>)
    %dma_start3A_247 = arith.constant 0 : i32
    %dma_start3A_248 = tpu.memref_slice %arg14[%dma_start3A_247] : memref<49152xf32, #tpu.memory_space<vmem>> -> memref<1536xf32, #tpu.memory_space<vmem>>
    %dma_start3A_249 = tpu.memref_slice %arg13[%add3A_50] : memref<65536xf32, #tpu.memory_space<hbm>> -> memref<1536xf32, #tpu.memory_space<hbm>>
    %dma_start3A_250 = tpu.memref_slice %arg13[%add3A_50] : memref<65536xf32, #tpu.memory_space<hbm>> -> memref<1536xf32, #tpu.memory_space<hbm>>
    %dma_start3A_251 = arith.constant 0 : i32
    %dma_start3A_252 = tpu.memref_slice %arg14[%dma_start3A_251] : memref<49152xf32, #tpu.memory_space<vmem>> -> memref<1536xf32, #tpu.memory_space<vmem>>
    tpu.enqueue_dma source(%dma_start3A_252 : memref<1536xf32, #tpu.memory_space<vmem>>) target(%dma_start3A_250 : memref<1536xf32, #tpu.memory_space<hbm>>) target_semaphore(%arg17 : memref<!tpu.dma_semaphore, #tpu.memory_space<semaphore_mem>>)
    %dma_wait3A_253 = arith.constant 0 : i32
    %dma_wait3A_254 = tpu.memref_slice %arg15[%dma_wait3A_253] : memref<49152xf32, #tpu.memory_space<vmem>> -> memref<1536xf32, #tpu.memory_space<vmem>>
    %dma_wait3A_255 = tpu.memref_slice %arg12[%add3A_46] : memref<65536xf32, #tpu.memory_space<hbm>> -> memref<1536xf32, #tpu.memory_space<hbm>>
    %dma_wait3A_256 = tpu.memref_slice %arg12[%add3A_46] : memref<65536xf32, #tpu.memory_space<hbm>> -> memref<1536xf32, #tpu.memory_space<hbm>>
    %dma_wait3A_257 = arith.constant 0 : i32
    %dma_wait3A_258 = tpu.memref_slice %arg15[%dma_wait3A_257] : memref<49152xf32, #tpu.memory_space<vmem>> -> memref<1536xf32, #tpu.memory_space<vmem>>
    tpu.wait_dma2 semaphore(%arg18 : memref<!tpu.dma_semaphore, #tpu.memory_space<semaphore_mem>>) src(%dma_wait3A_258 : memref<1536xf32, #tpu.memory_space<vmem>>) dst(%dma_wait3A_256 : memref<1536xf32, #tpu.memory_space<hbm>>)
    %dma_wait3A_259 = arith.constant 0 : i32
    %dma_wait3A_260 = tpu.memref_slice %arg14[%dma_wait3A_259] : memref<49152xf32, #tpu.memory_space<vmem>> -> memref<1536xf32, #tpu.memory_space<vmem>>
    %dma_wait3A_261 = tpu.memref_slice %arg13[%add3A_50] : memref<65536xf32, #tpu.memory_space<hbm>> -> memref<1536xf32, #tpu.memory_space<hbm>>
    %dma_wait3A_262 = tpu.memref_slice %arg13[%add3A_50] : memref<65536xf32, #tpu.memory_space<hbm>> -> memref<1536xf32, #tpu.memory_space<hbm>>
    %dma_wait3A_263 = arith.constant 0 : i32
    %dma_wait3A_264 = tpu.memref_slice %arg14[%dma_wait3A_263] : memref<49152xf32, #tpu.memory_space<vmem>> -> memref<1536xf32, #tpu.memory_space<vmem>>
    tpu.wait_dma2 semaphore(%arg17 : memref<!tpu.dma_semaphore, #tpu.memory_space<semaphore_mem>>) src(%dma_wait3A_264 : memref<1536xf32, #tpu.memory_space<vmem>>) dst(%dma_wait3A_262 : memref<1536xf32, #tpu.memory_space<hbm>>)
    %lt3A = arith.constant 12 : i32
    %lt3A_265 = arith.cmpi slt, %add3A, %lt3A : i32
    %convert_element_type3A = arith.extui %lt3A_265 : i1 to i32
    %cond3A = arith.constant 0 : i32
    %cond3A_266 = arith.cmpi ne, %convert_element_type3A, %cond3A : i32
    scf.if %cond3A_266 {
      %mul3A_273 = arith.constant 904 : i32
      %mul3A_274 = arith.muli %add3A, %mul3A_273 : i32
      %add3A_275 = arith.constant 5536 : i32
      %add3A_276 = arith.addi %add3A_275, %mul3A_274 : i32
      "tpu.region"() ({
        %run_scoped3A = tpu.sem_alloc : memref<!tpu.dma_semaphore, #tpu.memory_space<semaphore_mem>>
        %dma_start3A_291 = arith.constant 0 : i32
        %dma_start3A_292 = tpu.memref_slice %arg14[%dma_start3A_291] : memref<49152xf32, #tpu.memory_space<vmem>> -> memref<904xf32, #tpu.memory_space<vmem>>
        %dma_start3A_293 = tpu.memref_slice %arg3[%add3A_276] : memref<16384xf32, #tpu.memory_space<hbm>> -> memref<904xf32, #tpu.memory_space<hbm>>
        %dma_start3A_294 = arith.constant 0 : i32
        %dma_start3A_295 = tpu.memref_slice %arg14[%dma_start3A_294] : memref<49152xf32, #tpu.memory_space<vmem>> -> memref<904xf32, #tpu.memory_space<vmem>>
        %dma_start3A_296 = tpu.memref_slice %arg3[%add3A_276] : memref<16384xf32, #tpu.memory_space<hbm>> -> memref<904xf32, #tpu.memory_space<hbm>>
        tpu.enqueue_dma source(%dma_start3A_296 : memref<904xf32, #tpu.memory_space<hbm>>) target(%dma_start3A_295 : memref<904xf32, #tpu.memory_space<vmem>>) target_semaphore(%run_scoped3A : memref<!tpu.dma_semaphore, #tpu.memory_space<semaphore_mem>>)
        %dma_wait3A_297 = arith.constant 0 : i32
        %dma_wait3A_298 = tpu.memref_slice %arg14[%dma_wait3A_297] : memref<49152xf32, #tpu.memory_space<vmem>> -> memref<904xf32, #tpu.memory_space<vmem>>
        %dma_wait3A_299 = tpu.memref_slice %arg3[%add3A_276] : memref<16384xf32, #tpu.memory_space<hbm>> -> memref<904xf32, #tpu.memory_space<hbm>>
        %dma_wait3A_300 = arith.constant 0 : i32
        %dma_wait3A_301 = tpu.memref_slice %arg14[%dma_wait3A_300] : memref<49152xf32, #tpu.memory_space<vmem>> -> memref<904xf32, #tpu.memory_space<vmem>>
        %dma_wait3A_302 = tpu.memref_slice %arg3[%add3A_276] : memref<16384xf32, #tpu.memory_space<hbm>> -> memref<904xf32, #tpu.memory_space<hbm>>
        tpu.wait_dma2 semaphore(%run_scoped3A : memref<!tpu.dma_semaphore, #tpu.memory_space<semaphore_mem>>) src(%dma_wait3A_302 : memref<904xf32, #tpu.memory_space<hbm>>) dst(%dma_wait3A_301 : memref<904xf32, #tpu.memory_space<vmem>>)
        tpu.yield
      }) : () -> ()
      %mul3A_277 = arith.constant 904 : i32
      %mul3A_278 = arith.muli %add3A, %mul3A_277 : i32
      "tpu.region"() ({
        %run_scoped3A = tpu.sem_alloc : memref<!tpu.dma_semaphore, #tpu.memory_space<semaphore_mem>>
        %dma_start3A_291 = arith.constant 0 : i32
        %dma_start3A_292 = tpu.memref_slice %arg14[%dma_start3A_291] : memref<49152xf32, #tpu.memory_space<vmem>> -> memref<904xf32, #tpu.memory_space<vmem>>
        %dma_start3A_293 = tpu.memref_slice %arg11[%mul3A_278] : memref<65536xf32, #tpu.memory_space<hbm>> -> memref<904xf32, #tpu.memory_space<hbm>>
        %dma_start3A_294 = tpu.memref_slice %arg11[%mul3A_278] : memref<65536xf32, #tpu.memory_space<hbm>> -> memref<904xf32, #tpu.memory_space<hbm>>
        %dma_start3A_295 = arith.constant 0 : i32
        %dma_start3A_296 = tpu.memref_slice %arg14[%dma_start3A_295] : memref<49152xf32, #tpu.memory_space<vmem>> -> memref<904xf32, #tpu.memory_space<vmem>>
        tpu.enqueue_dma source(%dma_start3A_296 : memref<904xf32, #tpu.memory_space<vmem>>) target(%dma_start3A_294 : memref<904xf32, #tpu.memory_space<hbm>>) target_semaphore(%run_scoped3A : memref<!tpu.dma_semaphore, #tpu.memory_space<semaphore_mem>>)
        %dma_wait3A_297 = arith.constant 0 : i32
        %dma_wait3A_298 = tpu.memref_slice %arg14[%dma_wait3A_297] : memref<49152xf32, #tpu.memory_space<vmem>> -> memref<904xf32, #tpu.memory_space<vmem>>
        %dma_wait3A_299 = tpu.memref_slice %arg11[%mul3A_278] : memref<65536xf32, #tpu.memory_space<hbm>> -> memref<904xf32, #tpu.memory_space<hbm>>
        %dma_wait3A_300 = tpu.memref_slice %arg11[%mul3A_278] : memref<65536xf32, #tpu.memory_space<hbm>> -> memref<904xf32, #tpu.memory_space<hbm>>
        %dma_wait3A_301 = arith.constant 0 : i32
        %dma_wait3A_302 = tpu.memref_slice %arg14[%dma_wait3A_301] : memref<49152xf32, #tpu.memory_space<vmem>> -> memref<904xf32, #tpu.memory_space<vmem>>
        tpu.wait_dma2 semaphore(%run_scoped3A : memref<!tpu.dma_semaphore, #tpu.memory_space<semaphore_mem>>) src(%dma_wait3A_302 : memref<904xf32, #tpu.memory_space<vmem>>) dst(%dma_wait3A_300 : memref<904xf32, #tpu.memory_space<hbm>>)
        tpu.yield
      }) : () -> ()
      %mul3A_279 = arith.constant 904 : i32
      %mul3A_280 = arith.muli %add3A, %mul3A_279 : i32
      %add3A_281 = arith.constant 5536 : i32
      %add3A_282 = arith.addi %add3A_281, %mul3A_280 : i32
      "tpu.region"() ({
        %run_scoped3A = tpu.sem_alloc : memref<!tpu.dma_semaphore, #tpu.memory_space<semaphore_mem>>
        %dma_start3A_291 = arith.constant 0 : i32
        %dma_start3A_292 = tpu.memref_slice %arg14[%dma_start3A_291] : memref<49152xf32, #tpu.memory_space<vmem>> -> memref<904xf32, #tpu.memory_space<vmem>>
        %dma_start3A_293 = tpu.memref_slice %arg4[%add3A_282] : memref<16384xf32, #tpu.memory_space<hbm>> -> memref<904xf32, #tpu.memory_space<hbm>>
        %dma_start3A_294 = arith.constant 0 : i32
        %dma_start3A_295 = tpu.memref_slice %arg14[%dma_start3A_294] : memref<49152xf32, #tpu.memory_space<vmem>> -> memref<904xf32, #tpu.memory_space<vmem>>
        %dma_start3A_296 = tpu.memref_slice %arg4[%add3A_282] : memref<16384xf32, #tpu.memory_space<hbm>> -> memref<904xf32, #tpu.memory_space<hbm>>
        tpu.enqueue_dma source(%dma_start3A_296 : memref<904xf32, #tpu.memory_space<hbm>>) target(%dma_start3A_295 : memref<904xf32, #tpu.memory_space<vmem>>) target_semaphore(%run_scoped3A : memref<!tpu.dma_semaphore, #tpu.memory_space<semaphore_mem>>)
        %dma_wait3A_297 = arith.constant 0 : i32
        %dma_wait3A_298 = tpu.memref_slice %arg14[%dma_wait3A_297] : memref<49152xf32, #tpu.memory_space<vmem>> -> memref<904xf32, #tpu.memory_space<vmem>>
        %dma_wait3A_299 = tpu.memref_slice %arg4[%add3A_282] : memref<16384xf32, #tpu.memory_space<hbm>> -> memref<904xf32, #tpu.memory_space<hbm>>
        %dma_wait3A_300 = arith.constant 0 : i32
        %dma_wait3A_301 = tpu.memref_slice %arg14[%dma_wait3A_300] : memref<49152xf32, #tpu.memory_space<vmem>> -> memref<904xf32, #tpu.memory_space<vmem>>
        %dma_wait3A_302 = tpu.memref_slice %arg4[%add3A_282] : memref<16384xf32, #tpu.memory_space<hbm>> -> memref<904xf32, #tpu.memory_space<hbm>>
        tpu.wait_dma2 semaphore(%run_scoped3A : memref<!tpu.dma_semaphore, #tpu.memory_space<semaphore_mem>>) src(%dma_wait3A_302 : memref<904xf32, #tpu.memory_space<hbm>>) dst(%dma_wait3A_301 : memref<904xf32, #tpu.memory_space<vmem>>)
        tpu.yield
      }) : () -> ()
      %mul3A_283 = arith.constant 904 : i32
      %mul3A_284 = arith.muli %add3A, %mul3A_283 : i32
      "tpu.region"() ({
        %run_scoped3A = tpu.sem_alloc : memref<!tpu.dma_semaphore, #tpu.memory_space<semaphore_mem>>
        %dma_start3A_291 = arith.constant 0 : i32
        %dma_start3A_292 = tpu.memref_slice %arg14[%dma_start3A_291] : memref<49152xf32, #tpu.memory_space<vmem>> -> memref<904xf32, #tpu.memory_space<vmem>>
        %dma_start3A_293 = tpu.memref_slice %arg12[%mul3A_284] : memref<65536xf32, #tpu.memory_space<hbm>> -> memref<904xf32, #tpu.memory_space<hbm>>
        %dma_start3A_294 = tpu.memref_slice %arg12[%mul3A_284] : memref<65536xf32, #tpu.memory_space<hbm>> -> memref<904xf32, #tpu.memory_space<hbm>>
        %dma_start3A_295 = arith.constant 0 : i32
        %dma_start3A_296 = tpu.memref_slice %arg14[%dma_start3A_295] : memref<49152xf32, #tpu.memory_space<vmem>> -> memref<904xf32, #tpu.memory_space<vmem>>
        tpu.enqueue_dma source(%dma_start3A_296 : memref<904xf32, #tpu.memory_space<vmem>>) target(%dma_start3A_294 : memref<904xf32, #tpu.memory_space<hbm>>) target_semaphore(%run_scoped3A : memref<!tpu.dma_semaphore, #tpu.memory_space<semaphore_mem>>)
        %dma_wait3A_297 = arith.constant 0 : i32
        %dma_wait3A_298 = tpu.memref_slice %arg14[%dma_wait3A_297] : memref<49152xf32, #tpu.memory_space<vmem>> -> memref<904xf32, #tpu.memory_space<vmem>>
        %dma_wait3A_299 = tpu.memref_slice %arg12[%mul3A_284] : memref<65536xf32, #tpu.memory_space<hbm>> -> memref<904xf32, #tpu.memory_space<hbm>>
        %dma_wait3A_300 = tpu.memref_slice %arg12[%mul3A_284] : memref<65536xf32, #tpu.memory_space<hbm>> -> memref<904xf32, #tpu.memory_space<hbm>>
        %dma_wait3A_301 = arith.constant 0 : i32
        %dma_wait3A_302 = tpu.memref_slice %arg14[%dma_wait3A_301] : memref<49152xf32, #tpu.memory_space<vmem>> -> memref<904xf32, #tpu.memory_space<vmem>>
        tpu.wait_dma2 semaphore(%run_scoped3A : memref<!tpu.dma_semaphore, #tpu.memory_space<semaphore_mem>>) src(%dma_wait3A_302 : memref<904xf32, #tpu.memory_space<vmem>>) dst(%dma_wait3A_300 : memref<904xf32, #tpu.memory_space<hbm>>)
        tpu.yield
      }) : () -> ()
      %mul3A_285 = arith.constant 904 : i32
      %mul3A_286 = arith.muli %add3A, %mul3A_285 : i32
      %add3A_287 = arith.constant 5536 : i32
      %add3A_288 = arith.addi %add3A_287, %mul3A_286 : i32
      "tpu.region"() ({
        %run_scoped3A = tpu.sem_alloc : memref<!tpu.dma_semaphore, #tpu.memory_space<semaphore_mem>>
        %dma_start3A_291 = arith.constant 0 : i32
        %dma_start3A_292 = tpu.memref_slice %arg14[%dma_start3A_291] : memref<49152xf32, #tpu.memory_space<vmem>> -> memref<904xf32, #tpu.memory_space<vmem>>
        %dma_start3A_293 = tpu.memref_slice %arg5[%add3A_288] : memref<16384xf32, #tpu.memory_space<hbm>> -> memref<904xf32, #tpu.memory_space<hbm>>
        %dma_start3A_294 = arith.constant 0 : i32
        %dma_start3A_295 = tpu.memref_slice %arg14[%dma_start3A_294] : memref<49152xf32, #tpu.memory_space<vmem>> -> memref<904xf32, #tpu.memory_space<vmem>>
        %dma_start3A_296 = tpu.memref_slice %arg5[%add3A_288] : memref<16384xf32, #tpu.memory_space<hbm>> -> memref<904xf32, #tpu.memory_space<hbm>>
        tpu.enqueue_dma source(%dma_start3A_296 : memref<904xf32, #tpu.memory_space<hbm>>) target(%dma_start3A_295 : memref<904xf32, #tpu.memory_space<vmem>>) target_semaphore(%run_scoped3A : memref<!tpu.dma_semaphore, #tpu.memory_space<semaphore_mem>>)
        %dma_wait3A_297 = arith.constant 0 : i32
        %dma_wait3A_298 = tpu.memref_slice %arg14[%dma_wait3A_297] : memref<49152xf32, #tpu.memory_space<vmem>> -> memref<904xf32, #tpu.memory_space<vmem>>
        %dma_wait3A_299 = tpu.memref_slice %arg5[%add3A_288] : memref<16384xf32, #tpu.memory_space<hbm>> -> memref<904xf32, #tpu.memory_space<hbm>>
        %dma_wait3A_300 = arith.constant 0 : i32
        %dma_wait3A_301 = tpu.memref_slice %arg14[%dma_wait3A_300] : memref<49152xf32, #tpu.memory_space<vmem>> -> memref<904xf32, #tpu.memory_space<vmem>>
        %dma_wait3A_302 = tpu.memref_slice %arg5[%add3A_288] : memref<16384xf32, #tpu.memory_space<hbm>> -> memref<904xf32, #tpu.memory_space<hbm>>
        tpu.wait_dma2 semaphore(%run_scoped3A : memref<!tpu.dma_semaphore, #tpu.memory_space<semaphore_mem>>) src(%dma_wait3A_302 : memref<904xf32, #tpu.memory_space<hbm>>) dst(%dma_wait3A_301 : memref<904xf32, #tpu.memory_space<vmem>>)
        tpu.yield
      }) : () -> ()
      %mul3A_289 = arith.constant 904 : i32
      %mul3A_290 = arith.muli %add3A, %mul3A_289 : i32
      "tpu.region"() ({
        %run_scoped3A = tpu.sem_alloc : memref<!tpu.dma_semaphore, #tpu.memory_space<semaphore_mem>>
        %dma_start3A_291 = arith.constant 0 : i32
        %dma_start3A_292 = tpu.memref_slice %arg14[%dma_start3A_291] : memref<49152xf32, #tpu.memory_space<vmem>> -> memref<904xf32, #tpu.memory_space<vmem>>
        %dma_start3A_293 = tpu.memref_slice %arg13[%mul3A_290] : memref<65536xf32, #tpu.memory_space<hbm>> -> memref<904xf32, #tpu.memory_space<hbm>>
        %dma_start3A_294 = tpu.memref_slice %arg13[%mul3A_290] : memref<65536xf32, #tpu.memory_space<hbm>> -> memref<904xf32, #tpu.memory_space<hbm>>
        %dma_start3A_295 = arith.constant 0 : i32
        %dma_start3A_296 = tpu.memref_slice %arg14[%dma_start3A_295] : memref<49152xf32, #tpu.memory_space<vmem>> -> memref<904xf32, #tpu.memory_space<vmem>>
        tpu.enqueue_dma source(%dma_start3A_296 : memref<904xf32, #tpu.memory_space<vmem>>) target(%dma_start3A_294 : memref<904xf32, #tpu.memory_space<hbm>>) target_semaphore(%run_scoped3A : memref<!tpu.dma_semaphore, #tpu.memory_space<semaphore_mem>>)
        %dma_wait3A_297 = arith.constant 0 : i32
        %dma_wait3A_298 = tpu.memref_slice %arg14[%dma_wait3A_297] : memref<49152xf32, #tpu.memory_space<vmem>> -> memref<904xf32, #tpu.memory_space<vmem>>
        %dma_wait3A_299 = tpu.memref_slice %arg13[%mul3A_290] : memref<65536xf32, #tpu.memory_space<hbm>> -> memref<904xf32, #tpu.memory_space<hbm>>
        %dma_wait3A_300 = tpu.memref_slice %arg13[%mul3A_290] : memref<65536xf32, #tpu.memory_space<hbm>> -> memref<904xf32, #tpu.memory_space<hbm>>
        %dma_wait3A_301 = arith.constant 0 : i32
        %dma_wait3A_302 = tpu.memref_slice %arg14[%dma_wait3A_301] : memref<49152xf32, #tpu.memory_space<vmem>> -> memref<904xf32, #tpu.memory_space<vmem>>
        tpu.wait_dma2 semaphore(%run_scoped3A : memref<!tpu.dma_semaphore, #tpu.memory_space<semaphore_mem>>) src(%dma_wait3A_302 : memref<904xf32, #tpu.memory_space<vmem>>) dst(%dma_wait3A_300 : memref<904xf32, #tpu.memory_space<hbm>>)
        tpu.yield
      }) : () -> ()
    } else {
    }
    %ge3A = arith.constant 12 : i32
    %ge3A_267 = arith.cmpi sge, %add3A, %ge3A : i32
    %lt3A_268 = arith.constant 16 : i32
    %lt3A_269 = arith.cmpi slt, %add3A, %lt3A_268 : i32
    %and3A = arith.andi %ge3A_267, %lt3A_269 : i1
    %convert_element_type3A_270 = arith.extui %and3A : i1 to i32
    %cond3A_271 = arith.constant 0 : i32
    %cond3A_272 = arith.cmpi ne, %convert_element_type3A_270, %cond3A_271 : i32
    scf.if %cond3A_272 {
      %sub3A = arith.constant 12 : i32
      %sub3A_273 = arith.subi %add3A, %sub3A : i32
      %mul3A_274 = arith.constant 1384 : i32
      %mul3A_275 = arith.muli %sub3A_273, %mul3A_274 : i32
      "tpu.region"() ({
        %run_scoped3A = tpu.sem_alloc : memref<!tpu.dma_semaphore, #tpu.memory_space<semaphore_mem>>
        %dma_start3A_292 = arith.constant 0 : i32
        %dma_start3A_293 = tpu.memref_slice %arg14[%dma_start3A_292] : memref<49152xf32, #tpu.memory_space<vmem>> -> memref<1384xf32, #tpu.memory_space<vmem>>
        %dma_start3A_294 = tpu.memref_slice %arg3[%mul3A_275] : memref<16384xf32, #tpu.memory_space<hbm>> -> memref<1384xf32, #tpu.memory_space<hbm>>
        %dma_start3A_295 = arith.constant 0 : i32
        %dma_start3A_296 = tpu.memref_slice %arg14[%dma_start3A_295] : memref<49152xf32, #tpu.memory_space<vmem>> -> memref<1384xf32, #tpu.memory_space<vmem>>
        %dma_start3A_297 = tpu.memref_slice %arg3[%mul3A_275] : memref<16384xf32, #tpu.memory_space<hbm>> -> memref<1384xf32, #tpu.memory_space<hbm>>
        tpu.enqueue_dma source(%dma_start3A_297 : memref<1384xf32, #tpu.memory_space<hbm>>) target(%dma_start3A_296 : memref<1384xf32, #tpu.memory_space<vmem>>) target_semaphore(%run_scoped3A : memref<!tpu.dma_semaphore, #tpu.memory_space<semaphore_mem>>)
        %dma_wait3A_298 = arith.constant 0 : i32
        %dma_wait3A_299 = tpu.memref_slice %arg14[%dma_wait3A_298] : memref<49152xf32, #tpu.memory_space<vmem>> -> memref<1384xf32, #tpu.memory_space<vmem>>
        %dma_wait3A_300 = tpu.memref_slice %arg3[%mul3A_275] : memref<16384xf32, #tpu.memory_space<hbm>> -> memref<1384xf32, #tpu.memory_space<hbm>>
        %dma_wait3A_301 = arith.constant 0 : i32
        %dma_wait3A_302 = tpu.memref_slice %arg14[%dma_wait3A_301] : memref<49152xf32, #tpu.memory_space<vmem>> -> memref<1384xf32, #tpu.memory_space<vmem>>
        %dma_wait3A_303 = tpu.memref_slice %arg3[%mul3A_275] : memref<16384xf32, #tpu.memory_space<hbm>> -> memref<1384xf32, #tpu.memory_space<hbm>>
        tpu.wait_dma2 semaphore(%run_scoped3A : memref<!tpu.dma_semaphore, #tpu.memory_space<semaphore_mem>>) src(%dma_wait3A_303 : memref<1384xf32, #tpu.memory_space<hbm>>) dst(%dma_wait3A_302 : memref<1384xf32, #tpu.memory_space<vmem>>)
        tpu.yield
      }) : () -> ()
      %mul3A_276 = arith.constant 1384 : i32
      %mul3A_277 = arith.muli %sub3A_273, %mul3A_276 : i32
      %add3A_278 = arith.constant 60000 : i32
      %add3A_279 = arith.addi %add3A_278, %mul3A_277 : i32
      "tpu.region"() ({
        %run_scoped3A = tpu.sem_alloc : memref<!tpu.dma_semaphore, #tpu.memory_space<semaphore_mem>>
        %dma_start3A_292 = arith.constant 0 : i32
        %dma_start3A_293 = tpu.memref_slice %arg14[%dma_start3A_292] : memref<49152xf32, #tpu.memory_space<vmem>> -> memref<1384xf32, #tpu.memory_space<vmem>>
        %dma_start3A_294 = tpu.memref_slice %arg11[%add3A_279] : memref<65536xf32, #tpu.memory_space<hbm>> -> memref<1384xf32, #tpu.memory_space<hbm>>
        %dma_start3A_295 = tpu.memref_slice %arg11[%add3A_279] : memref<65536xf32, #tpu.memory_space<hbm>> -> memref<1384xf32, #tpu.memory_space<hbm>>
        %dma_start3A_296 = arith.constant 0 : i32
        %dma_start3A_297 = tpu.memref_slice %arg14[%dma_start3A_296] : memref<49152xf32, #tpu.memory_space<vmem>> -> memref<1384xf32, #tpu.memory_space<vmem>>
        tpu.enqueue_dma source(%dma_start3A_297 : memref<1384xf32, #tpu.memory_space<vmem>>) target(%dma_start3A_295 : memref<1384xf32, #tpu.memory_space<hbm>>) target_semaphore(%run_scoped3A : memref<!tpu.dma_semaphore, #tpu.memory_space<semaphore_mem>>)
        %dma_wait3A_298 = arith.constant 0 : i32
        %dma_wait3A_299 = tpu.memref_slice %arg14[%dma_wait3A_298] : memref<49152xf32, #tpu.memory_space<vmem>> -> memref<1384xf32, #tpu.memory_space<vmem>>
        %dma_wait3A_300 = tpu.memref_slice %arg11[%add3A_279] : memref<65536xf32, #tpu.memory_space<hbm>> -> memref<1384xf32, #tpu.memory_space<hbm>>
        %dma_wait3A_301 = tpu.memref_slice %arg11[%add3A_279] : memref<65536xf32, #tpu.memory_space<hbm>> -> memref<1384xf32, #tpu.memory_space<hbm>>
        %dma_wait3A_302 = arith.constant 0 : i32
        %dma_wait3A_303 = tpu.memref_slice %arg14[%dma_wait3A_302] : memref<49152xf32, #tpu.memory_space<vmem>> -> memref<1384xf32, #tpu.memory_space<vmem>>
        tpu.wait_dma2 semaphore(%run_scoped3A : memref<!tpu.dma_semaphore, #tpu.memory_space<semaphore_mem>>) src(%dma_wait3A_303 : memref<1384xf32, #tpu.memory_space<vmem>>) dst(%dma_wait3A_301 : memref<1384xf32, #tpu.memory_space<hbm>>)
        tpu.yield
      }) : () -> ()
      %mul3A_280 = arith.constant 1384 : i32
      %mul3A_281 = arith.muli %sub3A_273, %mul3A_280 : i32
      "tpu.region"() ({
        %run_scoped3A = tpu.sem_alloc : memref<!tpu.dma_semaphore, #tpu.memory_space<semaphore_mem>>
        %dma_start3A_292 = arith.constant 0 : i32
        %dma_start3A_293 = tpu.memref_slice %arg14[%dma_start3A_292] : memref<49152xf32, #tpu.memory_space<vmem>> -> memref<1384xf32, #tpu.memory_space<vmem>>
        %dma_start3A_294 = tpu.memref_slice %arg4[%mul3A_281] : memref<16384xf32, #tpu.memory_space<hbm>> -> memref<1384xf32, #tpu.memory_space<hbm>>
        %dma_start3A_295 = arith.constant 0 : i32
        %dma_start3A_296 = tpu.memref_slice %arg14[%dma_start3A_295] : memref<49152xf32, #tpu.memory_space<vmem>> -> memref<1384xf32, #tpu.memory_space<vmem>>
        %dma_start3A_297 = tpu.memref_slice %arg4[%mul3A_281] : memref<16384xf32, #tpu.memory_space<hbm>> -> memref<1384xf32, #tpu.memory_space<hbm>>
        tpu.enqueue_dma source(%dma_start3A_297 : memref<1384xf32, #tpu.memory_space<hbm>>) target(%dma_start3A_296 : memref<1384xf32, #tpu.memory_space<vmem>>) target_semaphore(%run_scoped3A : memref<!tpu.dma_semaphore, #tpu.memory_space<semaphore_mem>>)
        %dma_wait3A_298 = arith.constant 0 : i32
        %dma_wait3A_299 = tpu.memref_slice %arg14[%dma_wait3A_298] : memref<49152xf32, #tpu.memory_space<vmem>> -> memref<1384xf32, #tpu.memory_space<vmem>>
        %dma_wait3A_300 = tpu.memref_slice %arg4[%mul3A_281] : memref<16384xf32, #tpu.memory_space<hbm>> -> memref<1384xf32, #tpu.memory_space<hbm>>
        %dma_wait3A_301 = arith.constant 0 : i32
        %dma_wait3A_302 = tpu.memref_slice %arg14[%dma_wait3A_301] : memref<49152xf32, #tpu.memory_space<vmem>> -> memref<1384xf32, #tpu.memory_space<vmem>>
        %dma_wait3A_303 = tpu.memref_slice %arg4[%mul3A_281] : memref<16384xf32, #tpu.memory_space<hbm>> -> memref<1384xf32, #tpu.memory_space<hbm>>
        tpu.wait_dma2 semaphore(%run_scoped3A : memref<!tpu.dma_semaphore, #tpu.memory_space<semaphore_mem>>) src(%dma_wait3A_303 : memref<1384xf32, #tpu.memory_space<hbm>>) dst(%dma_wait3A_302 : memref<1384xf32, #tpu.memory_space<vmem>>)
        tpu.yield
      }) : () -> ()
      %mul3A_282 = arith.constant 1384 : i32
      %mul3A_283 = arith.muli %sub3A_273, %mul3A_282 : i32
      %add3A_284 = arith.constant 60000 : i32
      %add3A_285 = arith.addi %add3A_284, %mul3A_283 : i32
      "tpu.region"() ({
        %run_scoped3A = tpu.sem_alloc : memref<!tpu.dma_semaphore, #tpu.memory_space<semaphore_mem>>
        %dma_start3A_292 = arith.constant 0 : i32
        %dma_start3A_293 = tpu.memref_slice %arg14[%dma_start3A_292] : memref<49152xf32, #tpu.memory_space<vmem>> -> memref<1384xf32, #tpu.memory_space<vmem>>
        %dma_start3A_294 = tpu.memref_slice %arg12[%add3A_285] : memref<65536xf32, #tpu.memory_space<hbm>> -> memref<1384xf32, #tpu.memory_space<hbm>>
        %dma_start3A_295 = tpu.memref_slice %arg12[%add3A_285] : memref<65536xf32, #tpu.memory_space<hbm>> -> memref<1384xf32, #tpu.memory_space<hbm>>
        %dma_start3A_296 = arith.constant 0 : i32
        %dma_start3A_297 = tpu.memref_slice %arg14[%dma_start3A_296] : memref<49152xf32, #tpu.memory_space<vmem>> -> memref<1384xf32, #tpu.memory_space<vmem>>
        tpu.enqueue_dma source(%dma_start3A_297 : memref<1384xf32, #tpu.memory_space<vmem>>) target(%dma_start3A_295 : memref<1384xf32, #tpu.memory_space<hbm>>) target_semaphore(%run_scoped3A : memref<!tpu.dma_semaphore, #tpu.memory_space<semaphore_mem>>)
        %dma_wait3A_298 = arith.constant 0 : i32
        %dma_wait3A_299 = tpu.memref_slice %arg14[%dma_wait3A_298] : memref<49152xf32, #tpu.memory_space<vmem>> -> memref<1384xf32, #tpu.memory_space<vmem>>
        %dma_wait3A_300 = tpu.memref_slice %arg12[%add3A_285] : memref<65536xf32, #tpu.memory_space<hbm>> -> memref<1384xf32, #tpu.memory_space<hbm>>
        %dma_wait3A_301 = tpu.memref_slice %arg12[%add3A_285] : memref<65536xf32, #tpu.memory_space<hbm>> -> memref<1384xf32, #tpu.memory_space<hbm>>
        %dma_wait3A_302 = arith.constant 0 : i32
        %dma_wait3A_303 = tpu.memref_slice %arg14[%dma_wait3A_302] : memref<49152xf32, #tpu.memory_space<vmem>> -> memref<1384xf32, #tpu.memory_space<vmem>>
        tpu.wait_dma2 semaphore(%run_scoped3A : memref<!tpu.dma_semaphore, #tpu.memory_space<semaphore_mem>>) src(%dma_wait3A_303 : memref<1384xf32, #tpu.memory_space<vmem>>) dst(%dma_wait3A_301 : memref<1384xf32, #tpu.memory_space<hbm>>)
        tpu.yield
      }) : () -> ()
      %mul3A_286 = arith.constant 1384 : i32
      %mul3A_287 = arith.muli %sub3A_273, %mul3A_286 : i32
      "tpu.region"() ({
        %run_scoped3A = tpu.sem_alloc : memref<!tpu.dma_semaphore, #tpu.memory_space<semaphore_mem>>
        %dma_start3A_292 = arith.constant 0 : i32
        %dma_start3A_293 = tpu.memref_slice %arg14[%dma_start3A_292] : memref<49152xf32, #tpu.memory_space<vmem>> -> memref<1384xf32, #tpu.memory_space<vmem>>
        %dma_start3A_294 = tpu.memref_slice %arg5[%mul3A_287] : memref<16384xf32, #tpu.memory_space<hbm>> -> memref<1384xf32, #tpu.memory_space<hbm>>
        %dma_start3A_295 = arith.constant 0 : i32
        %dma_start3A_296 = tpu.memref_slice %arg14[%dma_start3A_295] : memref<49152xf32, #tpu.memory_space<vmem>> -> memref<1384xf32, #tpu.memory_space<vmem>>
        %dma_start3A_297 = tpu.memref_slice %arg5[%mul3A_287] : memref<16384xf32, #tpu.memory_space<hbm>> -> memref<1384xf32, #tpu.memory_space<hbm>>
        tpu.enqueue_dma source(%dma_start3A_297 : memref<1384xf32, #tpu.memory_space<hbm>>) target(%dma_start3A_296 : memref<1384xf32, #tpu.memory_space<vmem>>) target_semaphore(%run_scoped3A : memref<!tpu.dma_semaphore, #tpu.memory_space<semaphore_mem>>)
        %dma_wait3A_298 = arith.constant 0 : i32
        %dma_wait3A_299 = tpu.memref_slice %arg14[%dma_wait3A_298] : memref<49152xf32, #tpu.memory_space<vmem>> -> memref<1384xf32, #tpu.memory_space<vmem>>
        %dma_wait3A_300 = tpu.memref_slice %arg5[%mul3A_287] : memref<16384xf32, #tpu.memory_space<hbm>> -> memref<1384xf32, #tpu.memory_space<hbm>>
        %dma_wait3A_301 = arith.constant 0 : i32
        %dma_wait3A_302 = tpu.memref_slice %arg14[%dma_wait3A_301] : memref<49152xf32, #tpu.memory_space<vmem>> -> memref<1384xf32, #tpu.memory_space<vmem>>
        %dma_wait3A_303 = tpu.memref_slice %arg5[%mul3A_287] : memref<16384xf32, #tpu.memory_space<hbm>> -> memref<1384xf32, #tpu.memory_space<hbm>>
        tpu.wait_dma2 semaphore(%run_scoped3A : memref<!tpu.dma_semaphore, #tpu.memory_space<semaphore_mem>>) src(%dma_wait3A_303 : memref<1384xf32, #tpu.memory_space<hbm>>) dst(%dma_wait3A_302 : memref<1384xf32, #tpu.memory_space<vmem>>)
        tpu.yield
      }) : () -> ()
      %mul3A_288 = arith.constant 1384 : i32
      %mul3A_289 = arith.muli %sub3A_273, %mul3A_288 : i32
      %add3A_290 = arith.constant 60000 : i32
      %add3A_291 = arith.addi %add3A_290, %mul3A_289 : i32
      "tpu.region"() ({
        %run_scoped3A = tpu.sem_alloc : memref<!tpu.dma_semaphore, #tpu.memory_space<semaphore_mem>>
        %dma_start3A_292 = arith.constant 0 : i32
        %dma_start3A_293 = tpu.memref_slice %arg14[%dma_start3A_292] : memref<49152xf32, #tpu.memory_space<vmem>> -> memref<1384xf32, #tpu.memory_space<vmem>>
        %dma_start3A_294 = tpu.memref_slice %arg13[%add3A_291] : memref<65536xf32, #tpu.memory_space<hbm>> -> memref<1384xf32, #tpu.memory_space<hbm>>
        %dma_start3A_295 = tpu.memref_slice %arg13[%add3A_291] : memref<65536xf32, #tpu.memory_space<hbm>> -> memref<1384xf32, #tpu.memory_space<hbm>>
        %dma_start3A_296 = arith.constant 0 : i32
        %dma_start3A_297 = tpu.memref_slice %arg14[%dma_start3A_296] : memref<49152xf32, #tpu.memory_space<vmem>> -> memref<1384xf32, #tpu.memory_space<vmem>>
        tpu.enqueue_dma source(%dma_start3A_297 : memref<1384xf32, #tpu.memory_space<vmem>>) target(%dma_start3A_295 : memref<1384xf32, #tpu.memory_space<hbm>>) target_semaphore(%run_scoped3A : memref<!tpu.dma_semaphore, #tpu.memory_space<semaphore_mem>>)
        %dma_wait3A_298 = arith.constant 0 : i32
        %dma_wait3A_299 = tpu.memref_slice %arg14[%dma_wait3A_298] : memref<49152xf32, #tpu.memory_space<vmem>> -> memref<1384xf32, #tpu.memory_space<vmem>>
        %dma_wait3A_300 = tpu.memref_slice %arg13[%add3A_291] : memref<65536xf32, #tpu.memory_space<hbm>> -> memref<1384xf32, #tpu.memory_space<hbm>>
        %dma_wait3A_301 = tpu.memref_slice %arg13[%add3A_291] : memref<65536xf32, #tpu.memory_space<hbm>> -> memref<1384xf32, #tpu.memory_space<hbm>>
        %dma_wait3A_302 = arith.constant 0 : i32
        %dma_wait3A_303 = tpu.memref_slice %arg14[%dma_wait3A_302] : memref<49152xf32, #tpu.memory_space<vmem>> -> memref<1384xf32, #tpu.memory_space<vmem>>
        tpu.wait_dma2 semaphore(%run_scoped3A : memref<!tpu.dma_semaphore, #tpu.memory_space<semaphore_mem>>) src(%dma_wait3A_303 : memref<1384xf32, #tpu.memory_space<vmem>>) dst(%dma_wait3A_301 : memref<1384xf32, #tpu.memory_space<hbm>>)
        tpu.yield
      }) : () -> ()
    } else {
    }
    return
  }
}

</mosaic_0001>

<sc_bundles>
// kernel: kernel.3.cloned.1.call-start
scs
__scs_entry_jumppad:
0x0: {  	(pc) =	sbr.rel $0x88, $3  }
0x1: {  	(tag) =	ssettag $0x0;
	lr =	simm.s32 $0x1  }
0x2: {  	[smem:$0x3F99] =	sst lr;
	_ =	strace $0xD0000000  }
0x3: {  	_ = 	snop  }
0x4: {  	_ = 	snop  }
0x5: {  	_ = 	snop  }
0x6: {  	_ = 	snop  }
0x7: {  	_ = 	snop  }
__scs_overlays_trampoline_lowered:
0x8: {  	[smem:$0x3FA8] =	sst s0  }
0x9: {  	[smem:$0x3FA9] =	sst s1  }
0xa: {  	[smem:$0x3FAA] =	sst s2  }
0xb: {  	[smem:$0x3FAB] =	sst s3  }
0xc: {  	[smem:$0x3FAC] =	sst s4  }
0xd: {  	[smem:$0x3FAD] =	sst s5  }
0xe: {  	[smem:$0x3FAE] =	sst s6  }
0xf: {  	[smem:$0x3FAF] =	sst s7  }
0x10: {  	[smem:$0x3FB0] =	sst s8  }
0x11: {  	[smem:$0x3FB1] =	sst s9;
	s0 =	simm.s32 @!p0 $0x0  }
0x12: {  	s1 =	sld [smem:$0x3F97];
	s0 =	simm.s32 @p0 $0x1  }
0x13: {  	[smem:$0x3FB2] =	sst s0;
	s0 =	simm.s32 @!p1 $0x0  }
0x14: {  	s2 =	sld [smem:$0x3F96];
	s0 =	simm.s32 @p1 $0x1  }
0x15: {  	[smem:$0x3FB3] =	sst s0;
	s0 =	simm.s32 @!p2 $0x0  }
0x16: {  	s3 =	sld [smem:$0x3FDB];
	s0 =	simm.s32 @p2 $0x1  }
0x17: {  	s4 =	simm.s32 $0x1BF5;
	[smem:$0x3FB5] =	sst s0  }
0x18: {  	s0 =	sld [smem:$0x3F98];
	_ =	swait.ge [sflag:s4], $0x0  }
0x19: {  	s7 =	sld [smem:$0x3F99]  }
0x1a: {  	s8 =	sadd.s32 $0xFFFFE003, lr  }
0x1b: {  	s9 =	sadd.s32 $0xFFFFFEF7, lr;
	s5 =	simm.s32 $0xFFFFFFFF;
	p2 =	slt.u32 s8, $0xFFFFF086  }
0x1c: {  	p1 =	slt.u32 s9, $0xF7A;
	s5 =	simm.s32 @!p2 $0x0  }
0x1d: {  	s5 =	simm.s32 @p1 $0x1;
	p0 =	seq.s32 s7, s2  }
0x1e: {  	s7 =	smul.u32 @!p0 $0xF7A, s2;
	p2 =	seq.s32 @!p0 s5, $0x0  }
0x1f: {  	s9 =	smul.u32 $0xF7A, s1;
	s8 =	simm.s32 @!p0 $0x1BF5;
	p2 =	por !p2, p0  }
0x20: {  	[sflag:s8] =	ssyncset.s32 @!p0 $0xFFFFF086;
	s6 =	sadd.s32 @!p0 s3, s7;
	s7 =	simm.s32 @!p0 $0x108  }
0x21: {  	s3 =	sadd.s32 s3, s9;
	s6 =	sadd.s32 @!p0 $0x88, s6;
	s7 =	simm.s32 @p2 $0x1082  }
0x22: {  	[simem:s7], [sflag:s8] =	dma.local @!p0 [hbm:s6], $0xF7A  }
0x23: {  	s9 =	sor.u32 $0xD0000000, s2;
	s6 =	simm.s32 $0x108;
	_ =	swait.ge @!p0 [sflag:s8], $0x0  }
0x24: {  	s3 =	sadd.s32 $0x88, s3;
	s6 =	simm.s32 @!p1 $0x1082;
	[sflag:s4] =	ssyncset.s32 $0xFFFFF086  }
0x25: {  	[simem:s6], [sflag:s4] =	dma.local [hbm:s3], $0xF7A  }
0x26: {  	[smem:$0x3F99] =	sst s1;
	(tag) =	ssettag s2;
	_ =	strace s9  }
0x27: {  	s1 =	sld [smem:$0x3FA9]  }
0x28: {  	s2 =	sld [smem:$0x3FAA]  }
0x29: {  	s4 =	sld [smem:$0x3FAC]  }
0x2a: {  	p0 =	seq.s32 s5, $0x0;
	s5 =	sld [smem:$0x3FAD]  }
0x2b: {  	s6 =	sld [smem:$0x3FAE]  }
0x2c: {  	s7 =	sld [smem:$0x3FAF]  }
0x2d: {  	s3 =	simm.s32 $0x108;
	s8 =	sld [smem:$0x3FB0]  }
0x2e: {  	s3 =	simm.s32 @!p0 $0x1082;
	s9 =	sld [smem:$0x3FB1]  }
0x2f: {  	lr =	sadd.s32 s0, s3;
	s0 =	sld [smem:$0x3FA8]  }
0x30: {  	s3 =	sld [smem:$0x3FAB]  }
0x31: {  	[smem:$0x3FB4] =	sst s10  }
0x32: {  	s10 =	sld [smem:$0x3FB2];
	_ =	sdelay $0x3  }
0x33: {  	p0 =	seq.s32 s10, $0x1;
	s10 =	sld [smem:$0x3FB4];
	_ =	sdelay $0x3  }
0x34: {  	[smem:$0x3FB4] =	sst s10  }
0x35: {  	s10 =	sld [smem:$0x3FB3];
	_ =	sdelay $0x3  }
0x36: {  	p1 =	seq.s32 s10, $0x1;
	s10 =	sld [smem:$0x3FB4];
	_ =	sdelay $0x3  }
0x37: {  	[smem:$0x3FB4] =	sst s10  }
0x38: {  	s10 =	sld [smem:$0x3FB5]  }
0x39: {  	_ = 	snop;
	(pc) =	sbr.ind lr, $3  }
0x3a: {  	_ = 	snop  }
0x3b: {  	_ = 	snop  }
0x3c: {  	p2 =	seq.s32 s10, $0x1;
	s10 =	sld [smem:$0x3FB4]  }
0x3d: {  	_ =	shalt  }
0x3e: {  	_ =	shalt  }
0x3f: {  	_ =	shalt  }
0x40: {  	_ =	shalt  }
0x41: {  	_ =	shalt  }
0x42: {  	_ =	shalt  }
0x43: {  	_ =	shalt  }
0x44: {  	_ =	shalt  }
0x45: {  	_ =	shalt  }
0x46: {  	_ =	shalt  }
0x47: {  	_ =	shalt  }
0x48: {  	_ =	shalt  }
0x49: {  	_ =	shalt  }
0x4a: {  	_ =	shalt  }
0x4b: {  	_ =	shalt  }
0x4c: {  	_ =	shalt  }
0x4d: {  	_ =	shalt  }
0x4e: {  	_ =	shalt  }
0x4f: {  	_ =	shalt  }
0x50: {  	_ =	shalt  }
0x51: {  	_ =	shalt  }
0x52: {  	_ =	shalt  }
0x53: {  	_ =	shalt  }
0x54: {  	_ =	shalt  }
0x55: {  	_ =	shalt  }
0x56: {  	_ =	shalt  }
0x57: {  	_ =	shalt  }
0x58: {  	_ =	shalt  }
0x59: {  	_ =	shalt  }
0x5a: {  	_ =	shalt  }
0x5b: {  	_ =	shalt  }
0x5c: {  	_ =	shalt  }
0x5d: {  	_ =	shalt  }
0x5e: {  	_ =	shalt  }
0x5f: {  	_ =	shalt  }
0x60: {  	_ =	shalt  }
0x61: {  	_ =	shalt  }
0x62: {  	_ =	shalt  }
0x63: {  	_ =	shalt  }
0x64: {  	_ =	shalt  }
0x65: {  	_ =	shalt  }
0x66: {  	_ =	shalt  }
0x67: {  	_ =	shalt  }
0x68: {  	_ =	shalt  }
0x69: {  	_ =	shalt  }
0x6a: {  	_ =	shalt  }
0x6b: {  	_ =	shalt  }
0x6c: {  	_ =	shalt  }
0x6d: {  	_ =	shalt  }
0x6e: {  	_ =	shalt  }
0x6f: {  	_ =	shalt  }
0x70: {  	_ =	shalt  }
0x71: {  	_ =	shalt  }
0x72: {  	_ =	shalt  }
0x73: {  	_ =	shalt  }
0x74: {  	_ =	shalt  }
0x75: {  	_ =	shalt  }
0x76: {  	_ =	shalt  }
0x77: {  	_ =	shalt  }
0x78: {  	_ =	shalt  }
0x79: {  	_ =	shalt  }
0x7a: {  	_ =	shalt  }
0x7b: {  	_ =	shalt  }
0x7c: {  	_ =	shalt  }
0x7d: {  	_ =	shalt  }
0x7e: {  	_ =	shalt  }
0x7f: {  	_ =	shalt  }
0x80: {  	_ =	shalt  }
0x81: {  	_ =	shalt  }
0x82: {  	_ =	shalt  }
0x83: {  	_ =	shalt  }
0x84: {  	_ =	shalt  }
0x85: {  	_ =	shalt  }
0x86: {  	_ =	shalt  }
0x87: {  	_ =	shalt  }
.Lfunc_end0:
.L_simem_size_0:
called_computation_lowered:
.L_overlay_start_0:
0x88: {  	s2 =	sld [smem:$0x3FD9]  }
0x89: {  	s3 =	sld [smem:$0x3FFE];
	_ =	sdelay $0x1  }
0x8a: {  	s1 =	srdreg.scid  }
0x8b: {  	s0 =	sand.u32 $0x1, s1  }
0x8c: {  	s30 =	sshll.u32 s0, $0xA;
	s2 =	sadd.s32 s3, s2  }
0x8d: {  	s2 =	sadd.s32 s2, s30  }
0x8e: {  	[smem:$0x3FC0] =	sst s2  }
0x8f: {  	_ = 	snop  }
0x90: {  	s2 =	sld [smem:$0x3FC9]  }
0x91: {  	s31 =	sld [smem:$0x3FC8]  }
0x92: {  	s4 =	sld [smem:$0x3FC7]  }
0x93: {  	s5 =	sld [smem:$0x3FD0]  }
0x94: {  	s6 =	sld [smem:$0x3FC5]  }
0x95: {  	s7 =	sld [smem:$0x3FC4]  }
0x96: {  	s9 =	simm.s32 $0xA;
	s10 =	simm.s32 $0x10;
	s8 =	sld [smem:$0x3FC3]  }
0x97: {  	[smem:s10], [sflag:s9] =	dma.local [hbm:s5], $0x1  }
0x98: {  	_ =	swait.eq [sflag:s9], $0x1  }
0x99: {  	s10 =	sld [smem:$0x10]  }
0x9a: {  	s17 =	sld [smem:$0x11];
	[sflag:s9] =	ssyncset.done $0x0  }
0x9b: {  	s11 =	sld [smem:$0x12];
	[sflag:s9] =	ssyncadd.s32 $0xFFFFFFFF  }
0x9c: {  	s18 =	sld [smem:$0x13];
	(tm) =	ssettm $0x1  }
0x9d: {  	s12 =	sld [smem:$0x3FFB];
	_ =	sdelay $0x3  }
0x9e: {  	_ =	strace s12  }
0x9f: {  	s12 =	sld [smem:$0x3FFC];
	_ =	sdelay $0x3  }
0xa0: {  	_ =	strace s12  }
0xa1: {  	s12 =	sld [smem:$0x3FFD];
	_ =	sdelay $0x3  }
0xa2: {  	_ =	strace s12  }
0xa3: {  	_ =	strace $0x8FFFFFFF  }
0xa4: {  	s19 =	sld [smem:$0x3FDB];
	_ =	sdelay $0x1  }
0xa5: {  	s13 =	simm.s32 $_scs_section_size  }
0xa6: {  	s14 =	simm.s32 $_size__tile_overlayer_lowered;
	s15 =	simm.s32 $_tile_overlayer_lowered  }
0xa7: {  	s22 =	simm.s32 $0x1BFF;
	s21 =	sshll.u32 s15, $0x1;
	s12 =	sadd.s32 s13, s19  }
0xa8: {  	s16 =	simm.s32 $0x0;
	s20 =	sshll.u32 s14, $0x1;
	s14 =	sadd.s32 s21, s12  }
0xa9: {  	[timem:s16], [sflag:s22] =	dma.local [hbm:s14], s20  }
0xaa: {  	_ =	swait.ge [sflag:s22], s20  }
0xab: {  	s13 =	ssub.s32 $0x0, s20;
	[sflag:s22] =	ssyncset.done $0x0  }
0xac: {  	[sflag:s22] =	ssyncadd.s32 s13;
	_ =	sdelay $0x1  }
0xad: {  	s23 =	simm.s32 $0x1B8B  }
0xae: {  	_ =	swait.ge [sflag:s23], $0x1  }
0xaf: {  	[sflag:s23] =	ssyncset.done $0x0  }
0xb0: {  	s25 =	simm.s32 $0x1B8E;
	s24 =	sld [smem:$0x3FFE];
	[sflag:s23] =	ssyncadd.s32 $0xFFFFFFFF  }
0xb1: {  	s26 =	simm.s32 $execute0_lowered;
	[smem:$0x3FD2] =	sst s25  }
0xb2: {  	s14 =	sshll.u32 s26, $0x1;
	_ =	strace $0x80000046;
	[dreg:$0x1] =	wrdreg $0xFFFFFFFF  }
0xb3: {  	s28 =	simm.s32 $_size_execute0_lowered;
	s12 =	sadd.s32 s12, s14;
	[dreg:$0x0] =	wrdreg $0x0  }
0xb4: {  	s14 =	sshll.u32 s28, $0x1;
	[dreg:$0x2] =	wrdreg s12  }
0xb5: {  	[dreg:$0x3] =	wrdreg s14  }
0xb6: {  	[dreg:$0x4] =	wrdreg $0xC0  }
0xb7: {  	_ =	task [dreg:s16], $0x5FFFF  }
0xb8: {  	[dreg:$0x1] =	wrdreg $0xFFFFFFFF  }
0xb9: {  	[dreg:$0x0] =	wrdreg $0x60  }
0xba: {  	[dreg:$0x2] =	wrdreg s2  }
0xbb: {  	[dreg:$0x3] =	wrdreg s31  }
0xbc: {  	[dreg:$0x4] =	wrdreg s4  }
0xbd: {  	[dreg:$0x5] =	wrdreg s24  }
0xbe: {  	[dreg:$0x6] =	wrdreg s6  }
0xbf: {  	[dreg:$0x7] =	wrdreg s7  }
0xc0: {  	[dreg:$0x8] =	wrdreg s8  }
0xc1: {  	[dreg:$0x9] =	wrdreg s18  }
0xc2: {  	[dreg:$0xa] =	wrdreg s10  }
0xc3: {  	[dreg:$0xb] =	wrdreg s17  }
0xc4: {  	[dreg:$0xc] =	wrdreg s11  }
0xc5: {  	[dreg:$0xd] =	wrdreg $0x9  }
0xc6: {  	_ =	task.clear_ibuf [dreg:s16], $0xEFFFF;
	_ =	strace $0x90000046  }
0xc7: {  	s29 =	simm.s32 $0x9;
	_ =	strace $0x80000048  }
0xc8: {  	_ =	swait.ge [sflag:s29], $0x1  }
0xc9: {  	[sflag:s29] =	ssyncadd.s32 $0xFFFFFFFF  }
0xca: {  	_ =	strace $0x90000048  }
0xcb: {  	_ =	sfence  }
0xcc: {  	s30 =	sld [smem:$0x0];
	_ =	sdelay $0x2  }
0xcd: {  	s31 =	sshll.u32 s1, $0xD;
	s1 =	sshrl.u32 s1, $0x2  }
0xce: {  	s3 =	sand.u32 $0x4000, s31;
	s1 =	sadd.s32 s1, s30  }
0xcf: {  	s0 =	sor.u32 s3, s0;
	s1 =	sshll.u32 s1, $0x11  }
0xd0: {  	s0 =	sor.u32 s1, s0  }
0xd1: {  	s0 =	sadd.s32 $0x8F2B, s0  }
0xd2: {  	[sflag:s0] =	ssyncadd.remote.s32 $0x1  }
0xd3: {  	_ =	sfence.sel $0xFFFF  }
0xd4: {  	[dreg:$0x0] =	wrdreg $0xFFFFFFFF;
	(pc) =	sbr.abs _section_cstart, $3  }
0xd5: {  	[dreg:$0x1] =	wrdreg $0xFFFFFFFF  }
0xd6: {  	_ =	task.clear_ibuf [dreg:s16], $0x2FFFF;
	_ =	strace $0x9FFFFFFF  }
0xd7: {  	(tm) =	ssettm $0x7FFFFFFF  }
tec
execute0_lowered:
.L_overlay_start_1:
0x0: {  	(tag) =	ssettag $0x1  }
0x1: {  	s7 =	rddreg [dreg:$0x0]  }
0x2: {  	s23 =	rddreg [dreg:$0x1]  }
0x3: {  	s28 =	rddreg [dreg:$0x2]  }
0x4: {  	s21 =	rddreg [dreg:$0x3]  }
0x5: {  	s3 =	rddreg [dreg:$0x4]  }
0x6: {  	s9 =	rddreg [dreg:$0x5]  }
0x7: {  	s11 =	rddreg [dreg:$0x6]  }
0x8: {  	s1 =	srdreg.scid;
	s0 =	stileid.u32  }
0x9: {  	s13 =	rddreg [dreg:$0x7];
	s31 =	sand.u32 $0x1, s1;
	s2 =	sshll.u32 s0, $0x1  }
0xa: {  	s8 =	rddreg [dreg:$0x8];
	s24 =	sor.u32 s31, s2  }
0xb: {  	s26 =	rddreg [dreg:$0x9];
	s2 =	simm.s32 $0x0;
	s4 =	smul.u32 $0xA980, s24  }
0xc: {  	s5 =	smul.u32 $0x30000, s24;
	[smem:$0x7FF] =	sst s2  }
0xd: {  	s29 =	rddreg [dreg:$0xa];
	_ =	strace $0x80000047;
	s4 =	sshrl.u32 s4, $0x3  }
0xe: {  	s5 =	sshrl.u32 s5, $0x3;
	s6 =	sadd.s32 s7, s4;
	s4 =	sadd.s32 s8, s4  }
0xf: {  	s12 =	sadd.s32 $0x2A600, s5;
	s6 =	sadd.s32 $0x15A00, s6;
	[dreg:$0xd] =	wrdreg s4  }
0x10: {  	s14 =	sadd.s32 s3, s12;
	[dreg:$0xc] =	wrdreg s6  }
0x11: {  	s16 =	sadd.s32 $0x2BE00, s5;
	s15 =	sadd.s32 s8, s12;
	[dreg:$0xe] =	wrdreg s14  }
0x12: {  	s17 =	sadd.s32 s3, s16;
	[dreg:$0xf] =	wrdreg s15  }
0x13: {  	s19 =	sadd.s32 $0x2D600, s5;
	s18 =	sadd.s32 s8, s16;
	[dreg:$0x10] =	wrdreg s17  }
0x14: {  	s20 =	sadd.s32 s3, s19;
	[dreg:$0x11] =	wrdreg s18  }
0x15: {  	s25 =	sadd.s32 $0x2EE00, s5;
	s22 =	sadd.s32 s8, s19;
	[dreg:$0x12] =	wrdreg s20  }
0x16: {  	s3 =	sadd.s32 s3, s25;
	[dreg:$0x13] =	wrdreg s22  }
0x17: {  	s4 =	sadd.s32 s8, s25;
	[dreg:$0x14] =	wrdreg s3  }
0x18: {  	[dreg:$0x15] =	wrdreg s4  }
0x19: {  	s3 =	simm.s32 $0x1;
	s1 =	rddreg [dreg:$0xc]  }
0x1a: {  	[tilespmem:s2], [sflag:$0x1] =	stream.linear.gather [hbm4b:s1+s2], $0xA980, $0x38;
	[tilespmem:$0x18000] =	vst v63  }
0x1b: {  	_ =	swait.ge [sflag:s3], $0xA980  }
0x1c: {  	[sflag:s3] =	ssyncset.done $0x0  }
0x1d: {  	s6 =	rddreg [dreg:$0xd];
	[sflag:s3] =	ssyncadd.s32 $0xFFFF5680  }
0x1e: {  	[hbm4b:s6+s2] =	stream.linear.scatter [tilespmem:s2], [sflag:$0x2], $0xA980, $0x38;
	[tilespmem:$0x18000] =	vst v63  }
0x1f: {  	s4 =	simm.s32 $0xC000;
	s10 =	rddreg [dreg:$0xe]  }
0x20: {  	[tilespmem:s4], [sflag:$0x1] =	stream.linear.gather [hbm4b:s10+s2], $0xC000, $0x38;
	[tilespmem:$0x18000] =	vst v63  }
0x21: {  	_ =	swait.ge [sflag:s3], $0xC000  }
0x22: {  	[sflag:s3] =	ssyncset.done $0x0  }
0x23: {  	s5 =	simm.s32 $0x2;
	s12 =	rddreg [dreg:$0xf];
	[sflag:s3] =	ssyncadd.s32 $0xFFFF4000  }
0x24: {  	[hbm4b:s12+s2] =	stream.linear.scatter [tilespmem:s4], [sflag:$0x3], $0xC000, $0x38;
	[tilespmem:$0x18000] =	vst v63  }
0x25: {  	_ =	swait.ge [sflag:s5], $0xA980  }
0x26: {  	[sflag:s5] =	ssyncset.done $0x0  }
0x27: {  	s14 =	rddreg [dreg:$0x10];
	[sflag:s5] =	ssyncadd.s32 $0xFFFF5680  }
0x28: {  	[tilespmem:s2], [sflag:$0x1] =	stream.linear.gather [hbm4b:s14+s2], $0xC000, $0x38;
	[tilespmem:$0x18000] =	vst v63  }
0x29: {  	_ =	swait.ge [sflag:s3], $0xC000  }
0x2a: {  	[sflag:s3] =	ssyncset.done $0x0  }
0x2b: {  	s6 =	simm.s32 $0x3;
	s10 =	rddreg [dreg:$0x11];
	[sflag:s3] =	ssyncadd.s32 $0xFFFF4000  }
0x2c: {  	[hbm4b:s10+s2] =	stream.linear.scatter [tilespmem:s2], [sflag:$0x2], $0xC000, $0x38;
	[tilespmem:$0x18000] =	vst v63  }
0x2d: {  	_ =	swait.ge [sflag:s6], $0xC000  }
0x2e: {  	[sflag:s6] =	ssyncset.done $0x0  }
0x2f: {  	s15 =	rddreg [dreg:$0x12];
	[sflag:s6] =	ssyncadd.s32 $0xFFFF4000  }
0x30: {  	[tilespmem:s4], [sflag:$0x1] =	stream.linear.gather [hbm4b:s15+s2], $0xC000, $0x38;
	[tilespmem:$0x18000] =	vst v63  }
0x31: {  	_ =	swait.ge [sflag:s3], $0xC000  }
0x32: {  	[sflag:s3] =	ssyncset.done $0x0  }
0x33: {  	s16 =	rddreg [dreg:$0x13];
	[sflag:s3] =	ssyncadd.s32 $0xFFFF4000  }
0x34: {  	[hbm4b:s16+s2] =	stream.linear.scatter [tilespmem:s4], [sflag:$0x3], $0xC000, $0x38;
	[tilespmem:$0x18000] =	vst v63  }
0x35: {  	_ =	swait.ge [sflag:s5], $0xC000  }
0x36: {  	[sflag:s5] =	ssyncset.done $0x0  }
0x37: {  	s17 =	rddreg [dreg:$0x14];
	[sflag:s5] =	ssyncadd.s32 $0xFFFF4000  }
0x38: {  	[tilespmem:s2], [sflag:$0x1] =	stream.linear.gather [hbm4b:s17+s2], $0xC000, $0x38;
	[tilespmem:$0x18000] =	vst v63  }
0x39: {  	_ =	swait.ge [sflag:s3], $0xC000  }
0x3a: {  	[sflag:s3] =	ssyncset.done $0x0  }
0x3b: {  	s12 =	smul.u32 $0x5680, s24;
	s18 =	rddreg [dreg:$0x15];
	[sflag:s3] =	ssyncadd.s32 $0xFFFF4000  }
0x3c: {  	[hbm4b:s18+s2] =	stream.linear.scatter [tilespmem:s2], [sflag:$0x2], $0xC000, $0x38;
	[tilespmem:$0x18000] =	vst v63  }
0x3d: {  	s19 =	sshrl.u32 s12, $0x3;
	_ =	swait.ge [sflag:s6], $0xC000  }
0x3e: {  	s20 =	sadd.s32 s7, s19;
	[sflag:s6] =	ssyncset.done $0x0  }
0x3f: {  	[dreg:$0x16] =	wrdreg s20;
	[sflag:s6] =	ssyncadd.s32 $0xFFFF4000  }
0x40: {  	[tilespmem:s4], [sflag:$0x1] =	stream.linear.gather [hbm4b:s20+s2], $0x5680, $0x38;
	[tilespmem:$0x18000] =	vst v63  }
0x41: {  	_ =	swait.ge [sflag:s3], $0x5680  }
0x42: {  	s8 =	sadd.s32 s8, s19;
	[sflag:s3] =	ssyncset.done $0x0  }
0x43: {  	s22 =	smul.u32 $0x600, s24;
	s8 =	sadd.s32 $0xEA600, s8;
	[sflag:s3] =	ssyncadd.s32 $0xFFFFA980  }
0x44: {  	[hbm4b:s8+s2] =	stream.linear.scatter [tilespmem:s4], [sflag:$0x3], $0x5680, $0x38;
	[tilespmem:$0x18000] =	vst v63  }
0x45: {  	s10 =	sshrl.u32 s22, $0x3;
	_ =	swait.ge [sflag:s5], $0xC000  }
0x46: {  	s14 =	sadd.s32 $0x54C, s10;
	[sflag:s5] =	ssyncset.done $0x0  }
0x47: {  	s9 =	sadd.s32 s9, s14;
	[sflag:s5] =	ssyncadd.s32 $0xFFFF4000  }
0x48: {  	[tilespmem:s2], [sflag:$0x1] =	stream.linear.gather [hbm4b:s9+s2], $0x600, $0x38;
	[tilespmem:$0x18000] =	vst v63  }
0x49: {  	_ =	swait.ge [sflag:s3], $0x600  }
0x4a: {  	[sflag:s3] =	ssyncset.done $0x0  }
0x4b: {  	s10 =	sadd.s32 s26, s14;
	[sflag:s3] =	ssyncadd.s32 $0xFFFFFA00  }
0x4c: {  	[hbm4b:s10+s2] =	stream.linear.scatter [tilespmem:s2], [sflag:$0x2], $0x600, $0x38;
	[tilespmem:$0x18000] =	vst v63  }
0x4d: {  	_ =	swait.ge [sflag:s6], $0x5680  }
0x4e: {  	[sflag:s6] =	ssyncset.done $0x0  }
0x4f: {  	s11 =	sadd.s32 s11, s14;
	[sflag:s6] =	ssyncadd.s32 $0xFFFFA980  }
0x50: {  	[tilespmem:s4], [sflag:$0x1] =	stream.linear.gather [hbm4b:s11+s2], $0x600, $0x38;
	[tilespmem:$0x18000] =	vst v63  }
0x51: {  	_ =	swait.ge [sflag:s3], $0x600  }
0x52: {  	[sflag:s3] =	ssyncset.done $0x0  }
0x53: {  	s12 =	sadd.s32 s29, s14;
	[sflag:s3] =	ssyncadd.s32 $0xFFFFFA00  }
0x54: {  	[hbm4b:s12+s2] =	stream.linear.scatter [tilespmem:s4], [sflag:$0x3], $0x600, $0x38;
	[tilespmem:$0x18000] =	vst v63  }
0x55: {  	_ =	swait.ge [sflag:s5], $0x600  }
0x56: {  	[sflag:s5] =	ssyncset.done $0x0  }
0x57: {  	s13 =	sadd.s32 s13, s14;
	[sflag:s5] =	ssyncadd.s32 $0xFFFFFA00  }
0x58: {  	[tilespmem:s2], [sflag:$0x1] =	stream.linear.gather [hbm4b:s13+s2], $0x600, $0x38;
	[tilespmem:$0x18000] =	vst v63  }
0x59: {  	_ =	swait.ge [sflag:s3], $0x600  }
0x5a: {  	s7 =	sadd.s32 $0x1000, s21;
	[sflag:s3] =	ssyncset.done $0x0  }
0x5b: {  	s14 =	sadd.s32 s7, s14;
	[sflag:s3] =	ssyncadd.s32 $0xFFFFFA00  }
0x5c: {  	[hbm4b:s14+s2] =	stream.linear.scatter [tilespmem:s2], [sflag:$0x2], $0x600, $0x38;
	[tilespmem:$0x18000] =	vst v63  }
0x5d: {  	s15 =	smul.u32 $0x388, s24;
	_ =	swait.ge [sflag:s6], $0x600  }
0x5e: {  	[sflag:s6] =	ssyncset.done $0x0  }
0x5f: {  	s22 =	sshrl.u32 s15, $0x3;
	[sflag:s6] =	ssyncadd.s32 $0xFFFFFA00  }
0x60: {  	s25 =	sadd.s32 $0x2B4, s22;
	_ =	swait.ge [sflag:s5], $0x600  }
0x61: {  	p0 =	sgt.u32 s0, $0x5;
	s15 =	sadd.s32 s23, s25;
	[sflag:s5] =	ssyncset.done $0x0  }
0x62: {  	s16 =	simm.s32 @!p0 $0x0;
	s17 =	simm.s32 @!p0 $0x4;
	[sflag:s5] =	ssyncadd.s32 $0xFFFFFA00  }
0x63: {  	[tilespmem:s16], [sflag:$0x4] =	stream.linear.gather @!p0 [hbm4b:s15+s16], $0x388, $0x38;
	[tilespmem:$0x18000] =	vst v63  }
0x64: {  	_ =	swait.ge @!p0 [sflag:s17], $0x388  }
0x65: {  	[sflag:s17] =	ssyncset.done @!p0 $0x0  }
0x66: {  	s18 =	sadd.s32 s26, s22;
	[sflag:s17] =	ssyncadd.s32 @!p0 $0xFFFFFC78  }
0x67: {  	[hbm4b:s18+s16] =	stream.linear.scatter @!p0 [tilespmem:s16], [sflag:$0x4], $0x388, $0x38;
	[tilespmem:$0x18000] =	vst v63  }
0x68: {  	_ =	swait.ge @!p0 [sflag:s17], $0x388  }
0x69: {  	[sflag:s17] =	ssyncset.done @!p0 $0x0  }
0x6a: {  	s19 =	sadd.s32 s28, s25;
	[sflag:s17] =	ssyncadd.s32 @!p0 $0xFFFFFC78  }
0x6b: {  	[tilespmem:s16], [sflag:$0x4] =	stream.linear.gather @!p0 [hbm4b:s19+s16], $0x388, $0x38;
	[tilespmem:$0x18000] =	vst v63  }
0x6c: {  	_ =	swait.ge @!p0 [sflag:s17], $0x388  }
0x6d: {  	[sflag:s17] =	ssyncset.done @!p0 $0x0  }
0x6e: {  	s20 =	sadd.s32 s29, s22;
	[sflag:s17] =	ssyncadd.s32 @!p0 $0xFFFFFC78  }
0x6f: {  	[hbm4b:s20+s16] =	stream.linear.scatter @!p0 [tilespmem:s16], [sflag:$0x4], $0x388, $0x38;
	[tilespmem:$0x18000] =	vst v63  }
0x70: {  	_ =	swait.ge @!p0 [sflag:s17], $0x388  }
0x71: {  	s30 =	sadd.s32 $0x800, s21;
	[sflag:s17] =	ssyncset.done @!p0 $0x0  }
0x72: {  	s21 =	sadd.s32 s30, s25;
	[sflag:s17] =	ssyncadd.s32 @!p0 $0xFFFFFC78  }
0x73: {  	[tilespmem:s16], [sflag:$0x4] =	stream.linear.gather @!p0 [hbm4b:s21+s16], $0x388, $0x38;
	[tilespmem:$0x18000] =	vst v63  }
0x74: {  	s1 =	smul.u32 $0x568, s24;
	_ =	swait.ge @!p0 [sflag:s17], $0x388  }
0x75: {  	s25 =	sand.u32 $0xE, s0;
	[sflag:s17] =	ssyncset.done @!p0 $0x0  }
0x76: {  	s0 =	sadd.s32 $0xFFFFBF20, s1;
	s22 =	sadd.s32 s7, s22;
	[sflag:s17] =	ssyncadd.s32 @!p0 $0xFFFFFC78  }
0x77: {  	[hbm4b:s22+s16] =	stream.linear.scatter @!p0 [tilespmem:s16], [sflag:$0x4], $0x388, $0x38;
	[tilespmem:$0x18000] =	vst v63  }
0x78: {  	s0 =	sshrl.u32 s0, $0x3;
	_ =	swait.ge @!p0 [sflag:s17], $0x388  }
0x79: {  	p1 =	sne.s32 s25, $0x6;
	s24 =	sadd.s32 s23, s0;
	[sflag:s17] =	ssyncset.done @!p0 $0x0  }
0x7a: {  	s25 =	simm.s32 @!p1 $0x0;
	s23 =	simm.s32 @!p1 $0x4;
	[sflag:s17] =	ssyncadd.s32 @!p0 $0xFFFFFC78  }
0x7b: {  	[tilespmem:s25], [sflag:$0x4] =	stream.linear.gather @!p1 [hbm4b:s24+s25], $0x568, $0x38;
	[tilespmem:$0x18000] =	vst v63  }
0x7c: {  	s1 =	sshrl.u32 s1, $0x3;
	_ =	swait.ge @!p1 [sflag:s23], $0x568  }
0x7d: {  	s1 =	sadd.s32 $0x1530, s1;
	[sflag:s23] =	ssyncset.done @!p1 $0x0  }
0x7e: {  	s26 =	sadd.s32 s26, s1;
	[sflag:s23] =	ssyncadd.s32 @!p1 $0xFFFFFA98  }
0x7f: {  	[hbm4b:s26+s25] =	stream.linear.scatter @!p1 [tilespmem:s25], [sflag:$0x4], $0x568, $0x38;
	[tilespmem:$0x18000] =	vst v63  }
0x80: {  	_ =	swait.ge @!p1 [sflag:s23], $0x568  }
0x81: {  	[sflag:s23] =	ssyncset.done @!p1 $0x0  }
0x82: {  	s28 =	sadd.s32 s28, s0;
	[sflag:s23] =	ssyncadd.s32 @!p1 $0xFFFFFA98  }
0x83: {  	[tilespmem:s25], [sflag:$0x4] =	stream.linear.gather @!p1 [hbm4b:s28+s25], $0x568, $0x38;
	[tilespmem:$0x18000] =	vst v63  }
0x84: {  	s30 =	sadd.s32 s30, s0;
	s0 =	ssub.s32 $0x2, s31;
	_ =	swait.ge @!p1 [sflag:s23], $0x568  }
0x85: {  	s31 =	sshrl.u32 s0, $0x1;
	[sflag:s23] =	ssyncset.done @!p1 $0x0  }
0x86: {  	s0 =	ssub.s32 s0, s31;
	s29 =	sadd.s32 s29, s1;
	[sflag:s23] =	ssyncadd.s32 @!p1 $0xFFFFFA98  }
0x87: {  	[hbm4b:s29+s25] =	stream.linear.scatter @!p1 [tilespmem:s25], [sflag:$0x4], $0x568, $0x38;
	[tilespmem:$0x18000] =	vst v63  }
0x88: {  	s0 =	smax.u32 s0, $0x1;
	_ =	swait.ge @!p1 [sflag:s23], $0x568  }
0x89: {  	s31 =	sadd.s32 s7, s1;
	s1 =	sadd.s32 $0xFFFFFFFF, s0;
	[sflag:s23] =	ssyncset.done @!p1 $0x0  }
0x8a: {  	p2 =	sne.s32 s1, $0x0;
	[sflag:s23] =	ssyncadd.s32 @!p1 $0xFFFFFA98  }
0x8b: {  	[tilespmem:s25], [sflag:$0x4] =	stream.linear.gather @!p1 [hbm4b:s30+s25], $0x568, $0x38;
	[tilespmem:$0x18000] =	vst v63  }
.Ltmp0:
0x8c: {  	_ =	swait.ge @!p1 [sflag:s23], $0x568;
	(pc) =	sbr.rel @!p2 .LBB2_2-.Ltmp0, $4  }
0x8d: {  	[sflag:s23] =	ssyncset.done @!p1 $0x0  }
0x8e: {  	[sflag:s23] =	ssyncadd.s32 @!p1 $0xFFFFFA98  }
0x8f: {  	[hbm4b:s31+s25] =	stream.linear.scatter @!p1 [tilespmem:s25], [sflag:$0x4], $0x568, $0x38;
	[tilespmem:$0x18000] =	vst v63  }
0x90: {  	_ =	swait.ge @!p1 [sflag:s23], $0x568  }
.LBB2_1:
0x91: {  	[sflag:s23] =	ssyncset.done @!p1 $0x0  }
0x92: {  	s0 =	rddreg [dreg:$0xc];
	[sflag:s23] =	ssyncadd.s32 @!p1 $0xFFFFFA98  }
0x93: {  	[tilespmem:s2], [sflag:$0x1] =	stream.linear.gather [hbm4b:s0+s2], $0xA980, $0x38;
	[tilespmem:$0x18000] =	vst v63  }
0x94: {  	_ =	swait.ge [sflag:s3], $0xA980  }
0x95: {  	[sflag:s3] =	ssyncset.done $0x0  }
0x96: {  	s0 =	rddreg [dreg:$0xd];
	[sflag:s3] =	ssyncadd.s32 $0xFFFF5680  }
0x97: {  	[hbm4b:s0+s2] =	stream.linear.scatter [tilespmem:s2], [sflag:$0x2], $0xA980, $0x38;
	[tilespmem:$0x18000] =	vst v63  }
0x98: {  	s7 =	rddreg [dreg:$0xe]  }
0x99: {  	[tilespmem:s4], [sflag:$0x1] =	stream.linear.gather [hbm4b:s7+s2], $0xC000, $0x38;
	[tilespmem:$0x18000] =	vst v63  }
0x9a: {  	_ =	swait.ge [sflag:s3], $0xC000  }
0x9b: {  	[sflag:s3] =	ssyncset.done $0x0  }
0x9c: {  	s7 =	rddreg [dreg:$0xf];
	[sflag:s3] =	ssyncadd.s32 $0xFFFF4000  }
0x9d: {  	[hbm4b:s7+s2] =	stream.linear.scatter [tilespmem:s4], [sflag:$0x3], $0xC000, $0x38;
	[tilespmem:$0x18000] =	vst v63  }
0x9e: {  	_ =	swait.ge [sflag:s5], $0xA980  }
0x9f: {  	[sflag:s5] =	ssyncset.done $0x0  }
0xa0: {  	s7 =	rddreg [dreg:$0x10];
	[sflag:s5] =	ssyncadd.s32 $0xFFFF5680  }
0xa1: {  	[tilespmem:s2], [sflag:$0x1] =	stream.linear.gather [hbm4b:s7+s2], $0xC000, $0x38;
	[tilespmem:$0x18000] =	vst v63  }
0xa2: {  	_ =	swait.ge [sflag:s3], $0xC000  }
0xa3: {  	[sflag:s3] =	ssyncset.done $0x0  }
0xa4: {  	s7 =	rddreg [dreg:$0x11];
	[sflag:s3] =	ssyncadd.s32 $0xFFFF4000  }
0xa5: {  	[hbm4b:s7+s2] =	stream.linear.scatter [tilespmem:s2], [sflag:$0x2], $0xC000, $0x38;
	[tilespmem:$0x18000] =	vst v63  }
0xa6: {  	_ =	swait.ge [sflag:s6], $0xC000  }
0xa7: {  	[sflag:s6] =	ssyncset.done $0x0  }
0xa8: {  	s7 =	rddreg [dreg:$0x12];
	[sflag:s6] =	ssyncadd.s32 $0xFFFF4000  }
0xa9: {  	[tilespmem:s4], [sflag:$0x1] =	stream.linear.gather [hbm4b:s7+s2], $0xC000, $0x38;
	[tilespmem:$0x18000] =	vst v63  }
0xaa: {  	_ =	swait.ge [sflag:s3], $0xC000  }
0xab: {  	[sflag:s3] =	ssyncset.done $0x0  }
0xac: {  	s7 =	rddreg [dreg:$0x13];
	[sflag:s3] =	ssyncadd.s32 $0xFFFF4000  }
0xad: {  	[hbm4b:s7+s2] =	stream.linear.scatter [tilespmem:s4], [sflag:$0x3], $0xC000, $0x38;
	[tilespmem:$0x18000] =	vst v63  }
0xae: {  	_ =	swait.ge [sflag:s5], $0xC000  }
0xaf: {  	[sflag:s5] =	ssyncset.done $0x0  }
0xb0: {  	s7 =	rddreg [dreg:$0x14];
	[sflag:s5] =	ssyncadd.s32 $0xFFFF4000  }
0xb1: {  	[tilespmem:s2], [sflag:$0x1] =	stream.linear.gather [hbm4b:s7+s2], $0xC000, $0x38;
	[tilespmem:$0x18000] =	vst v63  }
0xb2: {  	_ =	swait.ge [sflag:s3], $0xC000  }
0xb3: {  	[sflag:s3] =	ssyncset.done $0x0  }
0xb4: {  	s7 =	rddreg [dreg:$0x15];
	[sflag:s3] =	ssyncadd.s32 $0xFFFF4000  }
0xb5: {  	[hbm4b:s7+s2] =	stream.linear.scatter [tilespmem:s2], [sflag:$0x2], $0xC000, $0x38;
	[tilespmem:$0x18000] =	vst v63  }
0xb6: {  	_ =	swait.ge [sflag:s6], $0xC000  }
0xb7: {  	[sflag:s6] =	ssyncset.done $0x0  }
0xb8: {  	s7 =	rddreg [dreg:$0x16];
	[sflag:s6] =	ssyncadd.s32 $0xFFFF4000  }
0xb9: {  	[tilespmem:s4], [sflag:$0x1] =	stream.linear.gather [hbm4b:s7+s2], $0x5680, $0x38;
	[tilespmem:$0x18000] =	vst v63  }
0xba: {  	_ =	swait.ge [sflag:s3], $0x5680  }
0xbb: {  	[sflag:s3] =	ssyncset.done $0x0  }
0xbc: {  	[sflag:s3] =	ssyncadd.s32 $0xFFFFA980  }
0xbd: {  	[hbm4b:s8+s2] =	stream.linear.scatter [tilespmem:s4], [sflag:$0x3], $0x5680, $0x38;
	[tilespmem:$0x18000] =	vst v63  }
0xbe: {  	_ =	swait.ge [sflag:s5], $0xC000  }
0xbf: {  	[sflag:s5] =	ssyncset.done $0x0  }
0xc0: {  	[sflag:s5] =	ssyncadd.s32 $0xFFFF4000  }
0xc1: {  	[tilespmem:s2], [sflag:$0x1] =	stream.linear.gather [hbm4b:s9+s2], $0x600, $0x38;
	[tilespmem:$0x18000] =	vst v63  }
0xc2: {  	_ =	swait.ge [sflag:s3], $0x600  }
0xc3: {  	[sflag:s3] =	ssyncset.done $0x0  }
0xc4: {  	[sflag:s3] =	ssyncadd.s32 $0xFFFFFA00  }
0xc5: {  	[hbm4b:s10+s2] =	stream.linear.scatter [tilespmem:s2], [sflag:$0x2], $0x600, $0x38;
	[tilespmem:$0x18000] =	vst v63  }
0xc6: {  	_ =	swait.ge [sflag:s6], $0x5680  }
0xc7: {  	[sflag:s6] =	ssyncset.done $0x0  }
0xc8: {  	[sflag:s6] =	ssyncadd.s32 $0xFFFFA980  }
0xc9: {  	[tilespmem:s4], [sflag:$0x1] =	stream.linear.gather [hbm4b:s11+s2], $0x600, $0x38;
	[tilespmem:$0x18000] =	vst v63  }
0xca: {  	_ =	swait.ge [sflag:s3], $0x600  }
0xcb: {  	[sflag:s3] =	ssyncset.done $0x0  }
0xcc: {  	[sflag:s3] =	ssyncadd.s32 $0xFFFFFA00  }
0xcd: {  	[hbm4b:s12+s2] =	stream.linear.scatter [tilespmem:s4], [sflag:$0x3], $0x600, $0x38;
	[tilespmem:$0x18000] =	vst v63  }
0xce: {  	_ =	swait.ge [sflag:s5], $0x600  }
0xcf: {  	[sflag:s5] =	ssyncset.done $0x0  }
0xd0: {  	[sflag:s5] =	ssyncadd.s32 $0xFFFFFA00  }
0xd1: {  	[tilespmem:s2], [sflag:$0x1] =	stream.linear.gather [hbm4b:s13+s2], $0x600, $0x38;
	[tilespmem:$0x18000] =	vst v63  }
0xd2: {  	_ =	swait.ge [sflag:s3], $0x600  }
0xd3: {  	[sflag:s3] =	ssyncset.done $0x0  }
0xd4: {  	[sflag:s3] =	ssyncadd.s32 $0xFFFFFA00  }
0xd5: {  	[hbm4b:s14+s2] =	stream.linear.scatter [tilespmem:s2], [sflag:$0x2], $0x600, $0x38;
	[tilespmem:$0x18000] =	vst v63  }
0xd6: {  	_ =	swait.ge [sflag:s6], $0x600  }
0xd7: {  	[sflag:s6] =	ssyncset.done $0x0  }
0xd8: {  	[sflag:s6] =	ssyncadd.s32 $0xFFFFFA00  }
0xd9: {  	_ =	swait.ge [sflag:s5], $0x600  }
0xda: {  	[sflag:s5] =	ssyncset.done $0x0  }
0xdb: {  	[sflag:s5] =	ssyncadd.s32 $0xFFFFFA00  }
0xdc: {  	[tilespmem:s16], [sflag:$0x4] =	stream.linear.gather @!p0 [hbm4b:s15+s16], $0x388, $0x38;
	[tilespmem:$0x18000] =	vst v63  }
0xdd: {  	_ =	swait.ge @!p0 [sflag:s17], $0x388  }
0xde: {  	[sflag:s17] =	ssyncset.done @!p0 $0x0  }
0xdf: {  	[sflag:s17] =	ssyncadd.s32 @!p0 $0xFFFFFC78  }
0xe0: {  	[hbm4b:s18+s16] =	stream.linear.scatter @!p0 [tilespmem:s16], [sflag:$0x4], $0x388, $0x38;
	[tilespmem:$0x18000] =	vst v63  }
0xe1: {  	_ =	swait.ge @!p0 [sflag:s17], $0x388  }
0xe2: {  	[sflag:s17] =	ssyncset.done @!p0 $0x0  }
0xe3: {  	[sflag:s17] =	ssyncadd.s32 @!p0 $0xFFFFFC78  }
0xe4: {  	[tilespmem:s16], [sflag:$0x4] =	stream.linear.gather @!p0 [hbm4b:s19+s16], $0x388, $0x38;
	[tilespmem:$0x18000] =	vst v63  }
0xe5: {  	_ =	swait.ge @!p0 [sflag:s17], $0x388  }
0xe6: {  	[sflag:s17] =	ssyncset.done @!p0 $0x0  }
0xe7: {  	[sflag:s17] =	ssyncadd.s32 @!p0 $0xFFFFFC78  }
0xe8: {  	[hbm4b:s20+s16] =	stream.linear.scatter @!p0 [tilespmem:s16], [sflag:$0x4], $0x388, $0x38;
	[tilespmem:$0x18000] =	vst v63  }
0xe9: {  	_ =	swait.ge @!p0 [sflag:s17], $0x388  }
0xea: {  	[sflag:s17] =	ssyncset.done @!p0 $0x0  }
0xeb: {  	[sflag:s17] =	ssyncadd.s32 @!p0 $0xFFFFFC78  }
0xec: {  	[tilespmem:s16], [sflag:$0x4] =	stream.linear.gather @!p0 [hbm4b:s21+s16], $0x388, $0x38;
	[tilespmem:$0x18000] =	vst v63  }
0xed: {  	_ =	swait.ge @!p0 [sflag:s17], $0x388  }
0xee: {  	[sflag:s17] =	ssyncset.done @!p0 $0x0  }
0xef: {  	[sflag:s17] =	ssyncadd.s32 @!p0 $0xFFFFFC78  }
0xf0: {  	[hbm4b:s22+s16] =	stream.linear.scatter @!p0 [tilespmem:s16], [sflag:$0x4], $0x388, $0x38;
	[tilespmem:$0x18000] =	vst v63  }
0xf1: {  	_ =	swait.ge @!p0 [sflag:s17], $0x388  }
0xf2: {  	[sflag:s17] =	ssyncset.done @!p0 $0x0  }
0xf3: {  	[sflag:s17] =	ssyncadd.s32 @!p0 $0xFFFFFC78  }
0xf4: {  	[tilespmem:s25], [sflag:$0x4] =	stream.linear.gather @!p1 [hbm4b:s24+s25], $0x568, $0x38;
	[tilespmem:$0x18000] =	vst v63  }
0xf5: {  	_ =	swait.ge @!p1 [sflag:s23], $0x568  }
0xf6: {  	[sflag:s23] =	ssyncset.done @!p1 $0x0  }
0xf7: {  	[sflag:s23] =	ssyncadd.s32 @!p1 $0xFFFFFA98  }
0xf8: {  	[hbm4b:s26+s25] =	stream.linear.scatter @!p1 [tilespmem:s25], [sflag:$0x4], $0x568, $0x38;
	[tilespmem:$0x18000] =	vst v63  }
0xf9: {  	_ =	swait.ge @!p1 [sflag:s23], $0x568  }
0xfa: {  	[sflag:s23] =	ssyncset.done @!p1 $0x0  }
0xfb: {  	[sflag:s23] =	ssyncadd.s32 @!p1 $0xFFFFFA98  }
0xfc: {  	[tilespmem:s25], [sflag:$0x4] =	stream.linear.gather @!p1 [hbm4b:s28+s25], $0x568, $0x38;
	[tilespmem:$0x18000] =	vst v63  }
0xfd: {  	_ =	swait.ge @!p1 [sflag:s23], $0x568  }
0xfe: {  	[sflag:s23] =	ssyncset.done @!p1 $0x0  }
0xff: {  	[sflag:s23] =	ssyncadd.s32 @!p1 $0xFFFFFA98  }
0x100: {  	[hbm4b:s29+s25] =	stream.linear.scatter @!p1 [tilespmem:s25], [sflag:$0x4], $0x568, $0x38;
	[tilespmem:$0x18000] =	vst v63  }
0x101: {  	_ =	swait.ge @!p1 [sflag:s23], $0x568  }
0x102: {  	s1 =	sadd.s32 $0xFFFFFFFF, s1;
	[sflag:s23] =	ssyncset.done @!p1 $0x0  }
0x103: {  	p2 =	sne.s32 s1, $0x0;
	[sflag:s23] =	ssyncadd.s32 @!p1 $0xFFFFFA98  }
0x104: {  	[tilespmem:s25], [sflag:$0x4] =	stream.linear.gather @!p1 [hbm4b:s30+s25], $0x568, $0x38;
	[tilespmem:$0x18000] =	vst v63  }
.Ltmp1:
0x105: {  	_ =	swait.ge @!p1 [sflag:s23], $0x568;
	(pc) =	sbr.rel @p2 .LBB2_1-.Ltmp1, $4  }
0x106: {  	[sflag:s23] =	ssyncset.done @!p1 $0x0  }
0x107: {  	[sflag:s23] =	ssyncadd.s32 @!p1 $0xFFFFFA98  }
0x108: {  	[hbm4b:s31+s25] =	stream.linear.scatter @!p1 [tilespmem:s25], [sflag:$0x4], $0x568, $0x38;
	[tilespmem:$0x18000] =	vst v63  }
0x109: {  	_ =	swait.ge @!p1 [sflag:s23], $0x568  }
.LBB2_2:
0x10a: {  	[sflag:s23] =	ssyncset.done @!p1 $0x0  }
0x10b: {  	[sflag:s23] =	ssyncadd.s32 @!p1 $0xFFFFFA98  }
0x10c: {  	_ =	sfence.sel $0x180000  }
0x10d: {  	[bflag:$0x0] =	sbarrier.arrive $0xFFFF  }
0x10e: {  	_ =	strace $0x90000047  }
0x10f: {  	s0 =	stileid.u32;
	[bflag:$0x2] =	sbarrier.arrive $0xFFFF  }
0x110: {  	p0 =	sne.s32 s0, $0x0;
	s0 =	rddreg [dreg:$0xb]  }
0x111: {  	s0 =	sadd.s32 @!p0 $0x100000, s0  }
0x112: {  	[sflag:s0] =	ssyncadd.tile.s32 @!p0 $0x1;
	_ =	shalt  }
.Lfunc_end2:
_tile_overlayer_lowered:
.L_overlay_start_2:
0x113: {  	(tag) =	ssettag $0x2  }
0x114: {  	s0 =	rddreg [dreg:$0x0];
	s2 =	stileid.u32  }
0x115: {  	s1 =	rddreg [dreg:$0x1];
	p0 =	sne.s32 s2, $0x0  }
0x116: {  	s3 =	rddreg [dreg:$0x2];
	[bflag:$0x3] =	sbarrier.arrive $0xFFFF;
	s2 =	simm.s32 @!p0 $0x1C04  }
0x117: {  	[timem:s3], [sflag:s2] =	dma.local @!p0 [hbm:s0], s1  }
0x118: {  	s0 =	simm.s32 @!p0 $0x4  }
0x119: {  	_ =	swait.ge @!p0 [sflag:s0], s1  }
0x11a: {  	s1 =	ssub.s32 @!p0 $0x0, s1;
	[sflag:s0] =	ssyncset.done @!p0 $0x0  }
0x11b: {  	[sflag:s0] =	ssyncadd.s32 @!p0 s1  }
0x11c: {  	[bflag:$0x3] =	sbarrier.arrive $0xFFFF  }
0x11d: {  	_ =	shalt  }

</sc_bundles>
